<compile_context>
chip_gen: v7x
topology: tpu7x:2x2x1
jax: 0.10.2.dev20260603
libtpu: 0.0.44.dev20260713+nightly
codegen_flags: <defaults>
</compile_context>

<pallas_src>
import jax
import jax.numpy as jnp
from jax import lax
from jax.experimental import pallas as pl
from jax.experimental.pallas import tpu as pltpu
from jax.experimental.pallas import tpu_sc as plsc

N = 10000
D = 128
E = 320000

NC = 2
NS = 16
NW = NC * NS
EPW = E // NW
CH = 100
NCH = EPW // CH
NP = 10240
RPS = NP // NS
CNTW = 16

_f32 = jnp.float32



def _build_segsum():
  mesh = plsc.VectorSubcoreMesh(
      core_axis_name="c", subcore_axis_name="s",
      num_cores=NC, num_subcores=NS)

  out_type = jax.ShapeDtypeStruct((NC, NP, D), _f32)
  scratch = [
      pltpu.MemorySpace.VMEM((NCH, CH), jnp.int32),
      pltpu.MemorySpace.VMEM((NCH, CH), jnp.int32),
      pltpu.MemorySpace.VMEM((CH, D), _f32),
      pltpu.MemorySpace.VMEM((CH, D), _f32),
      pltpu.MemorySpace.VMEM_SHARED((NP, D), _f32),
      pltpu.SemaphoreType.DMA,
      pltpu.SemaphoreType.DMA,
  ]

  def body(y, src, dst, zrow, acc_out,
           src_v, dst_v, rows0, rows1, acc_sh, sem0, sem1):
    c = lax.axis_index("c")
    s = lax.axis_index("s")
    wid = s * NC + c
    rows = (rows0, rows1)
    sems = (sem0, sem1)

    def gather(j, b):
      pltpu.async_copy(y.at[src_v.at[j]], rows[b], sems[b])

    pltpu.sync_copy(src.at[wid], src_v)
    pltpu.sync_copy(dst.at[wid], dst_v)
    gather(0, 0)
    gather(1, 1)
    pltpu.sync_copy(zrow, acc_sh.at[pl.ds(s * RPS, RPS)])
    plsc.subcore_barrier()

    def step(g, carry):
      j = 2 * g
      pltpu.make_async_copy(y.at[src_v.at[j]], rows0, sem0).wait()
      pltpu.sync_copy(rows0, acc_sh.at[dst_v.at[j]], add=True)
      gather(j + 2, 0)
      pltpu.make_async_copy(y.at[src_v.at[j + 1]], rows1, sem1).wait()
      pltpu.sync_copy(rows1, acc_sh.at[dst_v.at[j + 1]], add=True)
      gather(j + 3, 1)
      return carry

    lax.fori_loop(0, NCH // 2 - 1, step, 0)
    pltpu.make_async_copy(y.at[src_v.at[NCH - 2]], rows0, sem0).wait()
    pltpu.sync_copy(rows0, acc_sh.at[dst_v.at[NCH - 2]], add=True)
    pltpu.make_async_copy(y.at[src_v.at[NCH - 1]], rows1, sem1).wait()
    pltpu.sync_copy(rows1, acc_sh.at[dst_v.at[NCH - 1]], add=True)

    plsc.subcore_barrier()
    pltpu.sync_copy(acc_sh.at[pl.ds(s * RPS, RPS)],
                    acc_out.at[c, pl.ds(s * RPS, RPS)])

  return pl.kernel(
      body, out_type=out_type, mesh=mesh, scratch_types=scratch,
      compiler_params=pltpu.CompilerParams(use_tc_tiling_on_sc=False))


def _build_counts():
  mesh = plsc.VectorSubcoreMesh(
      core_axis_name="c", subcore_axis_name="s",
      num_cores=NC, num_subcores=NS)
  out_type = [jax.ShapeDtypeStruct((NC, NP, CNTW), _f32),
              jax.ShapeDtypeStruct((NC, NP, CNTW), _f32)]
  scratch = [
      pltpu.MemorySpace.VMEM((NCH, CH), jnp.int32),
      pltpu.MemorySpace.VMEM((CH, CNTW), _f32),
      pltpu.MemorySpace.VMEM_SHARED((NP, CNTW), _f32),
  ]

  def body(dst1, dst2, zcnt, ones, cnt1_out, cnt2_out,
           dst_v, ones_v, cnt_sh):
    c = lax.axis_index("c")
    s = lax.axis_index("s")
    wid = s * NC + c
    pltpu.sync_copy(ones, ones_v)
    for dst, cnt_out in ((dst1, cnt1_out), (dst2, cnt2_out)):
      pltpu.sync_copy(dst.at[wid], dst_v)
      pltpu.sync_copy(zcnt, cnt_sh.at[pl.ds(s * RPS, RPS)])
      plsc.subcore_barrier()

      def step(j, carry):
        pltpu.sync_copy(ones_v, cnt_sh.at[dst_v.at[j]], add=True)
        return carry

      lax.fori_loop(0, NCH, step, 0)
      plsc.subcore_barrier()
      pltpu.sync_copy(cnt_sh.at[pl.ds(s * RPS, RPS)],
                      cnt_out.at[c, pl.ds(s * RPS, RPS)])
      plsc.subcore_barrier()

  return pl.kernel(
      body, out_type=out_type, mesh=mesh, scratch_types=scratch,
      compiler_params=pltpu.CompilerParams(use_tc_tiling_on_sc=False))


_segsum = _build_segsum()
_counts = _build_counts()



R = 1000
G = N // R

_row_spec = pl.BlockSpec((R, D), lambda i: (i, 0))
_acc_spec = pl.BlockSpec((NC, R, D), lambda i: (0, i, 0))
_cnt_spec = pl.BlockSpec((NC, R, CNTW), lambda i: (0, i, 0))
_w_spec = pl.BlockSpec((D, D), lambda i: (0, 0))
_b_spec = pl.BlockSpec((1, D), lambda i: (0, 0))


def _tc_y1_body(x_ref, wlt_ref, y_ref):
  y_ref[...] = jnp.dot(x_ref[...], wlt_ref[...], preferred_element_type=_f32)


def _tc_z_body(h_ref, wrt_ref, bl_ref, z_ref):
  z_ref[...] = jnp.dot(h_ref[...], wrt_ref[...],
                       preferred_element_type=_f32) + bl_ref[...]


def _tc_comb_body(acc_ref, cnt_ref, z_ref, m_ref, wlt_ref, y_ref, h_ref):
  agg = acc_ref[0] + acc_ref[1]
  cnt = cnt_ref[0, :, 0:1] + cnt_ref[1, :, 0:1]
  inv = 1.0 / jnp.maximum(cnt, 1.0)
  h = jnp.maximum(z_ref[...] + agg * inv, 0.0) * m_ref[...]
  h_ref[...] = h
  y_ref[...] = jnp.dot(h, wlt_ref[...], preferred_element_type=_f32)


def _tc_final_body(acc_ref, cnt_ref, z_ref, out_ref):
  agg = acc_ref[0] + acc_ref[1]
  cnt = cnt_ref[0, :, 0:1] + cnt_ref[1, :, 0:1]
  inv = 1.0 / jnp.maximum(cnt, 1.0)
  out_ref[...] = z_ref[...] + agg * inv


_nd = jax.ShapeDtypeStruct((N, D), _f32)

_tc_y1 = pl.pallas_call(
    _tc_y1_body, grid=(G,),
    in_specs=[_row_spec, _w_spec],
    out_specs=_row_spec,
    out_shape=_nd)

_tc_z = pl.pallas_call(
    _tc_z_body, grid=(G,),
    in_specs=[_row_spec, _w_spec, _b_spec],
    out_specs=_row_spec,
    out_shape=_nd)

_tc_comb = pl.pallas_call(
    _tc_comb_body, grid=(G,),
    in_specs=[_acc_spec, _cnt_spec, _row_spec, _row_spec, _w_spec],
    out_specs=[_row_spec, _row_spec],
    out_shape=[_nd, _nd])

_tc_final = pl.pallas_call(
    _tc_final_body, grid=(G,),
    in_specs=[_acc_spec, _cnt_spec, _row_spec],
    out_specs=_row_spec,
    out_shape=_nd)



def kernel(x, edge_index, edge_idx_1_1, Wl1, bl1, Wr1, Wl2, bl2, Wr2,
           Wl3, bl3, Wr3):
  src1 = edge_index[0].reshape(NW, NCH, CH)
  dst1 = edge_index[1].reshape(NW, NCH, CH)
  src2 = edge_idx_1_1[0].reshape(NW, NCH, CH)
  dst2 = edge_idx_1_1[1].reshape(NW, NCH, CH)

  m1 = jax.random.bernoulli(jax.random.key(1), 0.5, (N, D)).astype(_f32) * 2.0
  m2 = jax.random.bernoulli(jax.random.key(2), 0.5, (N, D)).astype(_f32) * 2.0

  zrow = jnp.zeros((RPS, D), _f32)
  zcnt = jnp.zeros((RPS, CNTW), _f32)
  ones = jnp.ones((CH, CNTW), _f32)

  cnt1, cnt2 = _counts(dst1, dst2, zcnt, ones)
  y1 = _tc_y1(x, Wl1.T)
  acc1 = _segsum(y1, src1, dst1, zrow)
  z1 = _tc_z(x, Wr1.T, bl1.reshape(1, D))
  y2, h2 = _tc_comb(acc1, cnt1, z1, m1, Wl2.T)
  acc2 = _segsum(y2, src2, dst2, zrow)
  z2 = _tc_z(h2, Wr2.T, bl2.reshape(1, D))
  y3, h3 = _tc_comb(acc2, cnt2, z2, m2, Wl3.T)
  acc3 = _segsum(y3, src1, dst1, zrow)
  z3 = _tc_z(h3, Wr3.T, bl3.reshape(1, D))
  return _tc_final(acc3, cnt1, z3)

# --- scband reference (transcript-rebuilt; emitter-appended) ---
"""Pipeline reference for scband-gcn-layer-sage-16509854285892 (READ-ONLY COPY).

The authoritative reference and input builder live on the scoring server;
editing this copy changes nothing except your own understanding.
"""

import jax, jax.numpy as jnp
import numpy as np

N = 10000
D = 128
E = 320000


def _dropout(x, key, p=0.5):
    keep = jax.random.bernoulli(key, 1.0 - p, x.shape)
    return jnp.where(keep, x / (1.0 - p), jnp.zeros_like(x))


def _sage_conv(x, edge_index, Wl, bl, Wr):
    # PyG SAGEConv (aggr='mean', root_weight=True):
    # out = lin_l(mean_{j in N(i)} x_j) + lin_r(x_i); bias lives in lin_l.
    src = edge_index[0]
    dst = edge_index[1]
    n = x.shape[0]
    msgs = jnp.take(x, src, axis=0)
    agg = jax.ops.segment_sum(msgs, dst, num_segments=n)
    cnt = jax.ops.segment_sum(jnp.ones((src.shape[0],), dtype=x.dtype), dst, num_segments=n)
    mean = agg / jnp.maximum(cnt, 1.0)[:, None]
    return mean @ Wl.T + bl + x @ Wr.T


def setup_inputs(seed: int = 0) -> dict:
    key = jax.random.key(seed)
    ks = jax.random.split(key, 16)
    s = 1.0 / np.sqrt(D)
    x = jax.random.normal(ks[0], (N, D), dtype=jnp.float32)
    edge_index = jax.random.randint(ks[1], (2, E), 0, N, dtype=jnp.int32)
    edge_idx_1_1 = jax.random.randint(ks[2], (2, E), 0, N, dtype=jnp.int32)
    Wl1 = jax.random.normal(ks[3], (D, D), dtype=jnp.float32) * s
    bl1 = jax.random.normal(ks[4], (D,), dtype=jnp.float32) * s
    Wr1 = jax.random.normal(ks[5], (D, D), dtype=jnp.float32) * s
    Wl2 = jax.random.normal(ks[6], (D, D), dtype=jnp.float32) * s
    bl2 = jax.random.normal(ks[7], (D,), dtype=jnp.float32) * s
    Wr2 = jax.random.normal(ks[8], (D, D), dtype=jnp.float32) * s
    Wl3 = jax.random.normal(ks[9], (D, D), dtype=jnp.float32) * s
    bl3 = jax.random.normal(ks[10], (D,), dtype=jnp.float32) * s
    Wr3 = jax.random.normal(ks[11], (D, D), dtype=jnp.float32) * s
    return {"x": x, "edge_index": edge_index, "edge_idx_1_1": edge_idx_1_1,
            "Wl1": Wl1, "bl1": bl1, "Wr1": Wr1,
            "Wl2": Wl2, "bl2": bl2, "Wr2": Wr2,
            "Wl3": Wl3, "bl3": bl3, "Wr3": Wr3}


def reference(x, edge_index, edge_idx_1_1, Wl1, bl1, Wr1, Wl2, bl2, Wr2, Wl3, bl3, Wr3):
    k1 = jax.random.key(1)
    k2 = jax.random.key(2)
    h = _sage_conv(x, edge_index, Wl1, bl1, Wr1)
    h = _dropout(h, k1, 0.5)
    h = jax.nn.relu(h)
    h = _sage_conv(h, edge_idx_1_1, Wl2, bl2, Wr2)
    h = _dropout(h, k2, 0.5)
    h = jax.nn.relu(h)
    h = _sage_conv(h, edge_index, Wl3, bl3, Wr3)
    return h

if __name__ == "__main__":
    import jax
    _d = setup_inputs()
    print(jax.jit(kernel)(*tuple(_d.values())))

</pallas_src>

<mosaic_0001>
#map = affine_map<(d0, d1) -> (0, 0, 0)>
#map1 = affine_map<(d0, d1) -> (0, 0)>
module attributes {stable_mosaic.version = 14 : i64} {
  func.func @body(%arg0: i32, %arg1: i32, %arg2: memref<32x100x100xi32, #tpu.memory_space<hbm>>, %arg3: memref<32x100x100xi32, #tpu.memory_space<hbm>>, %arg4: memref<640x16xf32, #tpu.memory_space<hbm>>, %arg5: memref<100x16xf32, #tpu.memory_space<hbm>>, %arg6: memref<2x10240x16xf32, #tpu.memory_space<hbm>>, %arg7: memref<2x10240x16xf32, #tpu.memory_space<hbm>>, %arg8: memref<100x100xi32, #tpu.memory_space<vmem>>, %arg9: memref<100x16xf32, #tpu.memory_space<vmem>>, %arg10: memref<10240x16xf32, #tpu.memory_space<vmem_shared>>) attributes {dimension_semantics = [#tpu.dimension_semantics<core_parallel>, #tpu.dimension_semantics<subcore_parallel>], iteration_bounds = array<i64: 2, 16>, scalar_prefetch = 0 : i64, scratch_operands = 3 : i64, tpu.core_type = #tpu.core_type<sc_vector_subcore>, window_params = [{transform_indices = #map}, {transform_indices = #map}, {transform_indices = #map1}, {transform_indices = #map1}, {transform_indices = #map}, {transform_indices = #map}]} {
    %mul3A = arith.constant 2 : i32
    %mul3A_0 = arith.muli %arg1, %mul3A : i32
    %add3A = arith.addi %mul3A_0, %arg0 : i32
    "tpu.region"() ({
      %run_scoped3A = tpu.sem_alloc : memref<!tpu.dma_semaphore, #tpu.memory_space<semaphore_mem>>
      tpu.enqueue_dma source(%arg5 : memref<100x16xf32, #tpu.memory_space<hbm>>) target(%arg9 : memref<100x16xf32, #tpu.memory_space<vmem>>) target_semaphore(%run_scoped3A : memref<!tpu.dma_semaphore, #tpu.memory_space<semaphore_mem>>)
      tpu.wait_dma2 semaphore(%run_scoped3A : memref<!tpu.dma_semaphore, #tpu.memory_space<semaphore_mem>>) src(%arg5 : memref<100x16xf32, #tpu.memory_space<hbm>>) dst(%arg9 : memref<100x16xf32, #tpu.memory_space<vmem>>)
      tpu.yield
    }) : () -> ()
    "tpu.region"() ({
      %run_scoped3A = tpu.sem_alloc : memref<!tpu.dma_semaphore, #tpu.memory_space<semaphore_mem>>
      %dma_start3A = arith.constant 0 : i32
      %dma_start3A_29 = arith.constant 0 : i32
      %dma_start3A_30 = tpu.memref_slice %arg2[%add3A, %dma_start3A, %dma_start3A_29] : memref<32x100x100xi32, #tpu.memory_space<hbm>> -> memref<1x100x100xi32, #tpu.memory_space<hbm>>
      %dma_start3A_31 = tpu.memref_squeeze %dma_start3A_30 : memref<1x100x100xi32, #tpu.memory_space<hbm>> -> memref<100x100xi32, #tpu.memory_space<hbm>>
      %dma_start3A_32 = arith.constant 0 : i32
      %dma_start3A_33 = arith.constant 0 : i32
      %dma_start3A_34 = tpu.memref_slice %arg2[%add3A, %dma_start3A_32, %dma_start3A_33] : memref<32x100x100xi32, #tpu.memory_space<hbm>> -> memref<1x100x100xi32, #tpu.memory_space<hbm>>
      %dma_start3A_35 = tpu.memref_squeeze %dma_start3A_34 : memref<1x100x100xi32, #tpu.memory_space<hbm>> -> memref<100x100xi32, #tpu.memory_space<hbm>>
      tpu.enqueue_dma source(%dma_start3A_35 : memref<100x100xi32, #tpu.memory_space<hbm>>) target(%arg8 : memref<100x100xi32, #tpu.memory_space<vmem>>) target_semaphore(%run_scoped3A : memref<!tpu.dma_semaphore, #tpu.memory_space<semaphore_mem>>)
      %dma_wait3A = arith.constant 0 : i32
      %dma_wait3A_36 = arith.constant 0 : i32
      %dma_wait3A_37 = tpu.memref_slice %arg2[%add3A, %dma_wait3A, %dma_wait3A_36] : memref<32x100x100xi32, #tpu.memory_space<hbm>> -> memref<1x100x100xi32, #tpu.memory_space<hbm>>
      %dma_wait3A_38 = tpu.memref_squeeze %dma_wait3A_37 : memref<1x100x100xi32, #tpu.memory_space<hbm>> -> memref<100x100xi32, #tpu.memory_space<hbm>>
      %dma_wait3A_39 = arith.constant 0 : i32
      %dma_wait3A_40 = arith.constant 0 : i32
      %dma_wait3A_41 = tpu.memref_slice %arg2[%add3A, %dma_wait3A_39, %dma_wait3A_40] : memref<32x100x100xi32, #tpu.memory_space<hbm>> -> memref<1x100x100xi32, #tpu.memory_space<hbm>>
      %dma_wait3A_42 = tpu.memref_squeeze %dma_wait3A_41 : memref<1x100x100xi32, #tpu.memory_space<hbm>> -> memref<100x100xi32, #tpu.memory_space<hbm>>
      tpu.wait_dma2 semaphore(%run_scoped3A : memref<!tpu.dma_semaphore, #tpu.memory_space<semaphore_mem>>) src(%dma_wait3A_42 : memref<100x100xi32, #tpu.memory_space<hbm>>) dst(%arg8 : memref<100x100xi32, #tpu.memory_space<vmem>>)
      tpu.yield
    }) : () -> ()
    %mul3A_1 = arith.constant 640 : i32
    %mul3A_2 = arith.muli %arg1, %mul3A_1 : i32
    "tpu.region"() ({
      %run_scoped3A = tpu.sem_alloc : memref<!tpu.dma_semaphore, #tpu.memory_space<semaphore_mem>>
      %dma_start3A = arith.constant 0 : i32
      %dma_start3A_29 = tpu.memref_slice %arg10[%mul3A_2, %dma_start3A] : memref<10240x16xf32, #tpu.memory_space<vmem_shared>> -> memref<640x16xf32, #tpu.memory_space<vmem_shared>>
      tpu.enqueue_dma source(%arg4 : memref<640x16xf32, #tpu.memory_space<hbm>>) target(%dma_start3A_29 : memref<640x16xf32, #tpu.memory_space<vmem_shared>>) target_semaphore(%run_scoped3A : memref<!tpu.dma_semaphore, #tpu.memory_space<semaphore_mem>>)
      %dma_wait3A = arith.constant 0 : i32
      %dma_wait3A_30 = tpu.memref_slice %arg10[%mul3A_2, %dma_wait3A] : memref<10240x16xf32, #tpu.memory_space<vmem_shared>> -> memref<640x16xf32, #tpu.memory_space<vmem_shared>>
      tpu.wait_dma2 semaphore(%run_scoped3A : memref<!tpu.dma_semaphore, #tpu.memory_space<semaphore_mem>>) src(%arg4 : memref<640x16xf32, #tpu.memory_space<hbm>>) dst(%dma_wait3A_30 : memref<640x16xf32, #tpu.memory_space<vmem_shared>>)
      tpu.yield
    }) : () -> ()
    %barrier3A = arith.constant 0 : index
    tpu.barrier barrier_id(%barrier3A)
    %scan3A = arith.constant 0 : i32
    %scan3A_3 = arith.constant 0 : i32
    %scan3A_4 = arith.constant 100 : i32
    %scan3A_5 = arith.addi %scan3A_3, %scan3A_4 : i32
    %scan3A_6 = arith.constant 1 : i32
    scf.for %scan3A_29 = %scan3A_3 to %scan3A_5 step %scan3A_6  : i32 {
      "tpu.region"() ({
        %run_scoped3A = tpu.sem_alloc : memref<!tpu.dma_semaphore, #tpu.memory_space<semaphore_mem>>
        %dma_start3A = arith.constant 0 : i32
        %dma_start3A_30 = tpu.memref_slice %arg8[%scan3A_29, %dma_start3A] : memref<100x100xi32, #tpu.memory_space<vmem>> -> memref<1x100xi32, #tpu.memory_space<vmem>>
        %dma_start3A_31 = tpu.memref_squeeze %dma_start3A_30 : memref<1x100xi32, #tpu.memory_space<vmem>> -> memref<100xi32, #tpu.memory_space<vmem>>
        %dma_start3A_32 = arith.constant 0 : i32
        %dma_start3A_33 = arith.constant 0 : i32
        %dma_start3A_34 = tpu.memref_slice %arg10[%dma_start3A_32, %dma_start3A_33] : memref<10240x16xf32, #tpu.memory_space<vmem_shared>> -> memref<10240x16xf32, #tpu.memory_space<vmem_shared>>
        tpu.enqueue_indirect_dma source(%arg9 : memref<100x16xf32, #tpu.memory_space<vmem>>) target(%dma_start3A_34 : memref<10240x16xf32, #tpu.memory_space<vmem_shared>>) offsets(%dma_start3A_31 : memref<100xi32, #tpu.memory_space<vmem>>) semaphore(%run_scoped3A : memref<!tpu.dma_semaphore, #tpu.memory_space<semaphore_mem>>) {add = true}
        %dma_wait3A = arith.constant 0 : i32
        %dma_wait3A_35 = tpu.memref_slice %arg8[%scan3A_29, %dma_wait3A] : memref<100x100xi32, #tpu.memory_space<vmem>> -> memref<1x100xi32, #tpu.memory_space<vmem>>
        %dma_wait3A_36 = tpu.memref_squeeze %dma_wait3A_35 : memref<1x100xi32, #tpu.memory_space<vmem>> -> memref<100xi32, #tpu.memory_space<vmem>>
        %dma_wait3A_37 = arith.constant 0 : i32
        %dma_wait3A_38 = arith.constant 0 : i32
        %dma_wait3A_39 = tpu.memref_slice %arg10[%dma_wait3A_37, %dma_wait3A_38] : memref<10240x16xf32, #tpu.memory_space<vmem_shared>> -> memref<10240x16xf32, #tpu.memory_space<vmem_shared>>
        tpu.wait_indirect_dma semaphore(%run_scoped3A : memref<!tpu.dma_semaphore, #tpu.memory_space<semaphore_mem>>) src(%arg9 : memref<100x16xf32, #tpu.memory_space<vmem>>) dst(%dma_wait3A_39 : memref<10240x16xf32, #tpu.memory_space<vmem_shared>>)
        tpu.yield
      }) : () -> ()
    }
    %scan3A_7 = arith.constant 100 : i32
    %barrier3A_8 = arith.constant 0 : index
    tpu.barrier barrier_id(%barrier3A_8)
    %mul3A_9 = arith.constant 640 : i32
    %mul3A_10 = arith.muli %arg1, %mul3A_9 : i32
    %mul3A_11 = arith.constant 640 : i32
    %mul3A_12 = arith.muli %arg1, %mul3A_11 : i32
    "tpu.region"() ({
      %run_scoped3A = tpu.sem_alloc : memref<!tpu.dma_semaphore, #tpu.memory_space<semaphore_mem>>
      %dma_start3A = arith.constant 0 : i32
      %dma_start3A_29 = tpu.memref_slice %arg6[%arg0, %mul3A_12, %dma_start3A] : memref<2x10240x16xf32, #tpu.memory_space<hbm>> -> memref<1x640x16xf32, #tpu.memory_space<hbm>>
      %dma_start3A_30 = tpu.memref_squeeze %dma_start3A_29 : memref<1x640x16xf32, #tpu.memory_space<hbm>> -> memref<640x16xf32, #tpu.memory_space<hbm>>
      %dma_start3A_31 = arith.constant 0 : i32
      %dma_start3A_32 = tpu.memref_slice %arg10[%mul3A_10, %dma_start3A_31] : memref<10240x16xf32, #tpu.memory_space<vmem_shared>> -> memref<640x16xf32, #tpu.memory_space<vmem_shared>>
      tpu.enqueue_dma source(%dma_start3A_32 : memref<640x16xf32, #tpu.memory_space<vmem_shared>>) target(%dma_start3A_30 : memref<640x16xf32, #tpu.memory_space<hbm>>) target_semaphore(%run_scoped3A : memref<!tpu.dma_semaphore, #tpu.memory_space<semaphore_mem>>)
      %dma_wait3A = arith.constant 0 : i32
      %dma_wait3A_33 = tpu.memref_slice %arg6[%arg0, %mul3A_12, %dma_wait3A] : memref<2x10240x16xf32, #tpu.memory_space<hbm>> -> memref<1x640x16xf32, #tpu.memory_space<hbm>>
      %dma_wait3A_34 = tpu.memref_squeeze %dma_wait3A_33 : memref<1x640x16xf32, #tpu.memory_space<hbm>> -> memref<640x16xf32, #tpu.memory_space<hbm>>
      %dma_wait3A_35 = arith.constant 0 : i32
      %dma_wait3A_36 = tpu.memref_slice %arg10[%mul3A_10, %dma_wait3A_35] : memref<10240x16xf32, #tpu.memory_space<vmem_shared>> -> memref<640x16xf32, #tpu.memory_space<vmem_shared>>
      tpu.wait_dma2 semaphore(%run_scoped3A : memref<!tpu.dma_semaphore, #tpu.memory_space<semaphore_mem>>) src(%dma_wait3A_36 : memref<640x16xf32, #tpu.memory_space<vmem_shared>>) dst(%dma_wait3A_34 : memref<640x16xf32, #tpu.memory_space<hbm>>)
      tpu.yield
    }) : () -> ()
    %barrier3A_13 = arith.constant 0 : index
    tpu.barrier barrier_id(%barrier3A_13)
    "tpu.region"() ({
      %run_scoped3A = tpu.sem_alloc : memref<!tpu.dma_semaphore, #tpu.memory_space<semaphore_mem>>
      %dma_start3A = arith.constant 0 : i32
      %dma_start3A_29 = arith.constant 0 : i32
      %dma_start3A_30 = tpu.memref_slice %arg3[%add3A, %dma_start3A, %dma_start3A_29] : memref<32x100x100xi32, #tpu.memory_space<hbm>> -> memref<1x100x100xi32, #tpu.memory_space<hbm>>
      %dma_start3A_31 = tpu.memref_squeeze %dma_start3A_30 : memref<1x100x100xi32, #tpu.memory_space<hbm>> -> memref<100x100xi32, #tpu.memory_space<hbm>>
      %dma_start3A_32 = arith.constant 0 : i32
      %dma_start3A_33 = arith.constant 0 : i32
      %dma_start3A_34 = tpu.memref_slice %arg3[%add3A, %dma_start3A_32, %dma_start3A_33] : memref<32x100x100xi32, #tpu.memory_space<hbm>> -> memref<1x100x100xi32, #tpu.memory_space<hbm>>
      %dma_start3A_35 = tpu.memref_squeeze %dma_start3A_34 : memref<1x100x100xi32, #tpu.memory_space<hbm>> -> memref<100x100xi32, #tpu.memory_space<hbm>>
      tpu.enqueue_dma source(%dma_start3A_35 : memref<100x100xi32, #tpu.memory_space<hbm>>) target(%arg8 : memref<100x100xi32, #tpu.memory_space<vmem>>) target_semaphore(%run_scoped3A : memref<!tpu.dma_semaphore, #tpu.memory_space<semaphore_mem>>)
      %dma_wait3A = arith.constant 0 : i32
      %dma_wait3A_36 = arith.constant 0 : i32
      %dma_wait3A_37 = tpu.memref_slice %arg3[%add3A, %dma_wait3A, %dma_wait3A_36] : memref<32x100x100xi32, #tpu.memory_space<hbm>> -> memref<1x100x100xi32, #tpu.memory_space<hbm>>
      %dma_wait3A_38 = tpu.memref_squeeze %dma_wait3A_37 : memref<1x100x100xi32, #tpu.memory_space<hbm>> -> memref<100x100xi32, #tpu.memory_space<hbm>>
      %dma_wait3A_39 = arith.constant 0 : i32
      %dma_wait3A_40 = arith.constant 0 : i32
      %dma_wait3A_41 = tpu.memref_slice %arg3[%add3A, %dma_wait3A_39, %dma_wait3A_40] : memref<32x100x100xi32, #tpu.memory_space<hbm>> -> memref<1x100x100xi32, #tpu.memory_space<hbm>>
      %dma_wait3A_42 = tpu.memref_squeeze %dma_wait3A_41 : memref<1x100x100xi32, #tpu.memory_space<hbm>> -> memref<100x100xi32, #tpu.memory_space<hbm>>
      tpu.wait_dma2 semaphore(%run_scoped3A : memref<!tpu.dma_semaphore, #tpu.memory_space<semaphore_mem>>) src(%dma_wait3A_42 : memref<100x100xi32, #tpu.memory_space<hbm>>) dst(%arg8 : memref<100x100xi32, #tpu.memory_space<vmem>>)
      tpu.yield
    }) : () -> ()
    %mul3A_14 = arith.constant 640 : i32
    %mul3A_15 = arith.muli %arg1, %mul3A_14 : i32
    "tpu.region"() ({
      %run_scoped3A = tpu.sem_alloc : memref<!tpu.dma_semaphore, #tpu.memory_space<semaphore_mem>>
      %dma_start3A = arith.constant 0 : i32
      %dma_start3A_29 = tpu.memref_slice %arg10[%mul3A_15, %dma_start3A] : memref<10240x16xf32, #tpu.memory_space<vmem_shared>> -> memref<640x16xf32, #tpu.memory_space<vmem_shared>>
      tpu.enqueue_dma source(%arg4 : memref<640x16xf32, #tpu.memory_space<hbm>>) target(%dma_start3A_29 : memref<640x16xf32, #tpu.memory_space<vmem_shared>>) target_semaphore(%run_scoped3A : memref<!tpu.dma_semaphore, #tpu.memory_space<semaphore_mem>>)
      %dma_wait3A = arith.constant 0 : i32
      %dma_wait3A_30 = tpu.memref_slice %arg10[%mul3A_15, %dma_wait3A] : memref<10240x16xf32, #tpu.memory_space<vmem_shared>> -> memref<640x16xf32, #tpu.memory_space<vmem_shared>>
      tpu.wait_dma2 semaphore(%run_scoped3A : memref<!tpu.dma_semaphore, #tpu.memory_space<semaphore_mem>>) src(%arg4 : memref<640x16xf32, #tpu.memory_space<hbm>>) dst(%dma_wait3A_30 : memref<640x16xf32, #tpu.memory_space<vmem_shared>>)
      tpu.yield
    }) : () -> ()
    %barrier3A_16 = arith.constant 0 : index
    tpu.barrier barrier_id(%barrier3A_16)
    %scan3A_17 = arith.constant 0 : i32
    %scan3A_18 = arith.constant 0 : i32
    %scan3A_19 = arith.constant 100 : i32
    %scan3A_20 = arith.addi %scan3A_18, %scan3A_19 : i32
    %scan3A_21 = arith.constant 1 : i32
    scf.for %scan3A_29 = %scan3A_18 to %scan3A_20 step %scan3A_21  : i32 {
      "tpu.region"() ({
        %run_scoped3A = tpu.sem_alloc : memref<!tpu.dma_semaphore, #tpu.memory_space<semaphore_mem>>
        %dma_start3A = arith.constant 0 : i32
        %dma_start3A_30 = tpu.memref_slice %arg8[%scan3A_29, %dma_start3A] : memref<100x100xi32, #tpu.memory_space<vmem>> -> memref<1x100xi32, #tpu.memory_space<vmem>>
        %dma_start3A_31 = tpu.memref_squeeze %dma_start3A_30 : memref<1x100xi32, #tpu.memory_space<vmem>> -> memref<100xi32, #tpu.memory_space<vmem>>
        %dma_start3A_32 = arith.constant 0 : i32
        %dma_start3A_33 = arith.constant 0 : i32
        %dma_start3A_34 = tpu.memref_slice %arg10[%dma_start3A_32, %dma_start3A_33] : memref<10240x16xf32, #tpu.memory_space<vmem_shared>> -> memref<10240x16xf32, #tpu.memory_space<vmem_shared>>
        tpu.enqueue_indirect_dma source(%arg9 : memref<100x16xf32, #tpu.memory_space<vmem>>) target(%dma_start3A_34 : memref<10240x16xf32, #tpu.memory_space<vmem_shared>>) offsets(%dma_start3A_31 : memref<100xi32, #tpu.memory_space<vmem>>) semaphore(%run_scoped3A : memref<!tpu.dma_semaphore, #tpu.memory_space<semaphore_mem>>) {add = true}
        %dma_wait3A = arith.constant 0 : i32
        %dma_wait3A_35 = tpu.memref_slice %arg8[%scan3A_29, %dma_wait3A] : memref<100x100xi32, #tpu.memory_space<vmem>> -> memref<1x100xi32, #tpu.memory_space<vmem>>
        %dma_wait3A_36 = tpu.memref_squeeze %dma_wait3A_35 : memref<1x100xi32, #tpu.memory_space<vmem>> -> memref<100xi32, #tpu.memory_space<vmem>>
        %dma_wait3A_37 = arith.constant 0 : i32
        %dma_wait3A_38 = arith.constant 0 : i32
        %dma_wait3A_39 = tpu.memref_slice %arg10[%dma_wait3A_37, %dma_wait3A_38] : memref<10240x16xf32, #tpu.memory_space<vmem_shared>> -> memref<10240x16xf32, #tpu.memory_space<vmem_shared>>
        tpu.wait_indirect_dma semaphore(%run_scoped3A : memref<!tpu.dma_semaphore, #tpu.memory_space<semaphore_mem>>) src(%arg9 : memref<100x16xf32, #tpu.memory_space<vmem>>) dst(%dma_wait3A_39 : memref<10240x16xf32, #tpu.memory_space<vmem_shared>>)
        tpu.yield
      }) : () -> ()
    }
    %scan3A_22 = arith.constant 100 : i32
    %barrier3A_23 = arith.constant 0 : index
    tpu.barrier barrier_id(%barrier3A_23)
    %mul3A_24 = arith.constant 640 : i32
    %mul3A_25 = arith.muli %arg1, %mul3A_24 : i32
    %mul3A_26 = arith.constant 640 : i32
    %mul3A_27 = arith.muli %arg1, %mul3A_26 : i32
    "tpu.region"() ({
      %run_scoped3A = tpu.sem_alloc : memref<!tpu.dma_semaphore, #tpu.memory_space<semaphore_mem>>
      %dma_start3A = arith.constant 0 : i32
      %dma_start3A_29 = tpu.memref_slice %arg7[%arg0, %mul3A_27, %dma_start3A] : memref<2x10240x16xf32, #tpu.memory_space<hbm>> -> memref<1x640x16xf32, #tpu.memory_space<hbm>>
      %dma_start3A_30 = tpu.memref_squeeze %dma_start3A_29 : memref<1x640x16xf32, #tpu.memory_space<hbm>> -> memref<640x16xf32, #tpu.memory_space<hbm>>
      %dma_start3A_31 = arith.constant 0 : i32
      %dma_start3A_32 = tpu.memref_slice %arg10[%mul3A_25, %dma_start3A_31] : memref<10240x16xf32, #tpu.memory_space<vmem_shared>> -> memref<640x16xf32, #tpu.memory_space<vmem_shared>>
      tpu.enqueue_dma source(%dma_start3A_32 : memref<640x16xf32, #tpu.memory_space<vmem_shared>>) target(%dma_start3A_30 : memref<640x16xf32, #tpu.memory_space<hbm>>) target_semaphore(%run_scoped3A : memref<!tpu.dma_semaphore, #tpu.memory_space<semaphore_mem>>)
      %dma_wait3A = arith.constant 0 : i32
      %dma_wait3A_33 = tpu.memref_slice %arg7[%arg0, %mul3A_27, %dma_wait3A] : memref<2x10240x16xf32, #tpu.memory_space<hbm>> -> memref<1x640x16xf32, #tpu.memory_space<hbm>>
      %dma_wait3A_34 = tpu.memref_squeeze %dma_wait3A_33 : memref<1x640x16xf32, #tpu.memory_space<hbm>> -> memref<640x16xf32, #tpu.memory_space<hbm>>
      %dma_wait3A_35 = arith.constant 0 : i32
      %dma_wait3A_36 = tpu.memref_slice %arg10[%mul3A_25, %dma_wait3A_35] : memref<10240x16xf32, #tpu.memory_space<vmem_shared>> -> memref<640x16xf32, #tpu.memory_space<vmem_shared>>
      tpu.wait_dma2 semaphore(%run_scoped3A : memref<!tpu.dma_semaphore, #tpu.memory_space<semaphore_mem>>) src(%dma_wait3A_36 : memref<640x16xf32, #tpu.memory_space<vmem_shared>>) dst(%dma_wait3A_34 : memref<640x16xf32, #tpu.memory_space<hbm>>)
      tpu.yield
    }) : () -> ()
    %barrier3A_28 = arith.constant 0 : index
    tpu.barrier barrier_id(%barrier3A_28)
    return
  }
}

#map = affine_map<(d0, d1) -> (0, 0)>
#map1 = affine_map<(d0, d1) -> (0, 0, 0)>
module attributes {stable_mosaic.version = 14 : i64} {
  func.func @body(%arg0: i32, %arg1: i32, %arg2: memref<10000x128xf32, #tpu.memory_space<hbm>>, %arg3: memref<32x100x100xi32, #tpu.memory_space<hbm>>, %arg4: memref<32x100x100xi32, #tpu.memory_space<hbm>>, %arg5: memref<640x128xf32, #tpu.memory_space<hbm>>, %arg6: memref<2x10240x128xf32, #tpu.memory_space<hbm>>, %arg7: memref<100x100xi32, #tpu.memory_space<vmem>>, %arg8: memref<100x100xi32, #tpu.memory_space<vmem>>, %arg9: memref<100x128xf32, #tpu.memory_space<vmem>>, %arg10: memref<100x128xf32, #tpu.memory_space<vmem>>, %arg11: memref<10240x128xf32, #tpu.memory_space<vmem_shared>>, %arg12: memref<!tpu.dma_semaphore, #tpu.memory_space<semaphore_mem>>, %arg13: memref<!tpu.dma_semaphore, #tpu.memory_space<semaphore_mem>>) attributes {dimension_semantics = [#tpu.dimension_semantics<core_parallel>, #tpu.dimension_semantics<subcore_parallel>], iteration_bounds = array<i64: 2, 16>, scalar_prefetch = 0 : i64, scratch_operands = 7 : i64, tpu.core_type = #tpu.core_type<sc_vector_subcore>, window_params = [{transform_indices = #map}, {transform_indices = #map1}, {transform_indices = #map1}, {transform_indices = #map}, {transform_indices = #map1}]} {
    %mul3A = arith.constant 2 : i32
    %mul3A_0 = arith.muli %arg1, %mul3A : i32
    %add3A = arith.addi %mul3A_0, %arg0 : i32
    "tpu.region"() ({
      %run_scoped3A_40 = tpu.sem_alloc : memref<!tpu.dma_semaphore, #tpu.memory_space<semaphore_mem>>
      %dma_start3A_41 = arith.constant 0 : i32
      %dma_start3A_42 = arith.constant 0 : i32
      %dma_start3A_43 = tpu.memref_slice %arg3[%add3A, %dma_start3A_41, %dma_start3A_42] : memref<32x100x100xi32, #tpu.memory_space<hbm>> -> memref<1x100x100xi32, #tpu.memory_space<hbm>>
      %dma_start3A_44 = tpu.memref_squeeze %dma_start3A_43 : memref<1x100x100xi32, #tpu.memory_space<hbm>> -> memref<100x100xi32, #tpu.memory_space<hbm>>
      %dma_start3A_45 = arith.constant 0 : i32
      %dma_start3A_46 = arith.constant 0 : i32
      %dma_start3A_47 = tpu.memref_slice %arg3[%add3A, %dma_start3A_45, %dma_start3A_46] : memref<32x100x100xi32, #tpu.memory_space<hbm>> -> memref<1x100x100xi32, #tpu.memory_space<hbm>>
      %dma_start3A_48 = tpu.memref_squeeze %dma_start3A_47 : memref<1x100x100xi32, #tpu.memory_space<hbm>> -> memref<100x100xi32, #tpu.memory_space<hbm>>
      tpu.enqueue_dma source(%dma_start3A_48 : memref<100x100xi32, #tpu.memory_space<hbm>>) target(%arg7 : memref<100x100xi32, #tpu.memory_space<vmem>>) target_semaphore(%run_scoped3A_40 : memref<!tpu.dma_semaphore, #tpu.memory_space<semaphore_mem>>)
      %dma_wait3A_49 = arith.constant 0 : i32
      %dma_wait3A_50 = arith.constant 0 : i32
      %dma_wait3A_51 = tpu.memref_slice %arg3[%add3A, %dma_wait3A_49, %dma_wait3A_50] : memref<32x100x100xi32, #tpu.memory_space<hbm>> -> memref<1x100x100xi32, #tpu.memory_space<hbm>>
      %dma_wait3A_52 = tpu.memref_squeeze %dma_wait3A_51 : memref<1x100x100xi32, #tpu.memory_space<hbm>> -> memref<100x100xi32, #tpu.memory_space<hbm>>
      %dma_wait3A_53 = arith.constant 0 : i32
      %dma_wait3A_54 = arith.constant 0 : i32
      %dma_wait3A_55 = tpu.memref_slice %arg3[%add3A, %dma_wait3A_53, %dma_wait3A_54] : memref<32x100x100xi32, #tpu.memory_space<hbm>> -> memref<1x100x100xi32, #tpu.memory_space<hbm>>
      %dma_wait3A_56 = tpu.memref_squeeze %dma_wait3A_55 : memref<1x100x100xi32, #tpu.memory_space<hbm>> -> memref<100x100xi32, #tpu.memory_space<hbm>>
      tpu.wait_dma2 semaphore(%run_scoped3A_40 : memref<!tpu.dma_semaphore, #tpu.memory_space<semaphore_mem>>) src(%dma_wait3A_56 : memref<100x100xi32, #tpu.memory_space<hbm>>) dst(%arg7 : memref<100x100xi32, #tpu.memory_space<vmem>>)
      tpu.yield
    }) : () -> ()
    "tpu.region"() ({
      %run_scoped3A_40 = tpu.sem_alloc : memref<!tpu.dma_semaphore, #tpu.memory_space<semaphore_mem>>
      %dma_start3A_41 = arith.constant 0 : i32
      %dma_start3A_42 = arith.constant 0 : i32
      %dma_start3A_43 = tpu.memref_slice %arg4[%add3A, %dma_start3A_41, %dma_start3A_42] : memref<32x100x100xi32, #tpu.memory_space<hbm>> -> memref<1x100x100xi32, #tpu.memory_space<hbm>>
      %dma_start3A_44 = tpu.memref_squeeze %dma_start3A_43 : memref<1x100x100xi32, #tpu.memory_space<hbm>> -> memref<100x100xi32, #tpu.memory_space<hbm>>
      %dma_start3A_45 = arith.constant 0 : i32
      %dma_start3A_46 = arith.constant 0 : i32
      %dma_start3A_47 = tpu.memref_slice %arg4[%add3A, %dma_start3A_45, %dma_start3A_46] : memref<32x100x100xi32, #tpu.memory_space<hbm>> -> memref<1x100x100xi32, #tpu.memory_space<hbm>>
      %dma_start3A_48 = tpu.memref_squeeze %dma_start3A_47 : memref<1x100x100xi32, #tpu.memory_space<hbm>> -> memref<100x100xi32, #tpu.memory_space<hbm>>
      tpu.enqueue_dma source(%dma_start3A_48 : memref<100x100xi32, #tpu.memory_space<hbm>>) target(%arg8 : memref<100x100xi32, #tpu.memory_space<vmem>>) target_semaphore(%run_scoped3A_40 : memref<!tpu.dma_semaphore, #tpu.memory_space<semaphore_mem>>)
      %dma_wait3A_49 = arith.constant 0 : i32
      %dma_wait3A_50 = arith.constant 0 : i32
      %dma_wait3A_51 = tpu.memref_slice %arg4[%add3A, %dma_wait3A_49, %dma_wait3A_50] : memref<32x100x100xi32, #tpu.memory_space<hbm>> -> memref<1x100x100xi32, #tpu.memory_space<hbm>>
      %dma_wait3A_52 = tpu.memref_squeeze %dma_wait3A_51 : memref<1x100x100xi32, #tpu.memory_space<hbm>> -> memref<100x100xi32, #tpu.memory_space<hbm>>
      %dma_wait3A_53 = arith.constant 0 : i32
      %dma_wait3A_54 = arith.constant 0 : i32
      %dma_wait3A_55 = tpu.memref_slice %arg4[%add3A, %dma_wait3A_53, %dma_wait3A_54] : memref<32x100x100xi32, #tpu.memory_space<hbm>> -> memref<1x100x100xi32, #tpu.memory_space<hbm>>
      %dma_wait3A_56 = tpu.memref_squeeze %dma_wait3A_55 : memref<1x100x100xi32, #tpu.memory_space<hbm>> -> memref<100x100xi32, #tpu.memory_space<hbm>>
      tpu.wait_dma2 semaphore(%run_scoped3A_40 : memref<!tpu.dma_semaphore, #tpu.memory_space<semaphore_mem>>) src(%dma_wait3A_56 : memref<100x100xi32, #tpu.memory_space<hbm>>) dst(%arg8 : memref<100x100xi32, #tpu.memory_space<vmem>>)
      tpu.yield
    }) : () -> ()
    %dma_start3A = arith.constant 0 : i32
    %dma_start3A_1 = arith.constant 0 : i32
    %dma_start3A_2 = tpu.memref_slice %arg7[%dma_start3A, %dma_start3A_1] : memref<100x100xi32, #tpu.memory_space<vmem>> -> memref<1x100xi32, #tpu.memory_space<vmem>>
    %dma_start3A_3 = tpu.memref_squeeze %dma_start3A_2 : memref<1x100xi32, #tpu.memory_space<vmem>> -> memref<100xi32, #tpu.memory_space<vmem>>
    %dma_start3A_4 = arith.constant 0 : i32
    %dma_start3A_5 = arith.constant 0 : i32
    %dma_start3A_6 = tpu.memref_slice %arg2[%dma_start3A_4, %dma_start3A_5] : memref<10000x128xf32, #tpu.memory_space<hbm>> -> memref<10000x128xf32, #tpu.memory_space<hbm>>
    tpu.enqueue_indirect_dma source(%dma_start3A_6 : memref<10000x128xf32, #tpu.memory_space<hbm>>) target(%arg9 : memref<100x128xf32, #tpu.memory_space<vmem>>) offsets(%dma_start3A_3 : memref<100xi32, #tpu.memory_space<vmem>>) semaphore(%arg12 : memref<!tpu.dma_semaphore, #tpu.memory_space<semaphore_mem>>)
    %dma_start3A_7 = arith.constant 1 : i32
    %dma_start3A_8 = arith.constant 0 : i32
    %dma_start3A_9 = tpu.memref_slice %arg7[%dma_start3A_7, %dma_start3A_8] : memref<100x100xi32, #tpu.memory_space<vmem>> -> memref<1x100xi32, #tpu.memory_space<vmem>>
    %dma_start3A_10 = tpu.memref_squeeze %dma_start3A_9 : memref<1x100xi32, #tpu.memory_space<vmem>> -> memref<100xi32, #tpu.memory_space<vmem>>
    %dma_start3A_11 = arith.constant 0 : i32
    %dma_start3A_12 = arith.constant 0 : i32
    %dma_start3A_13 = tpu.memref_slice %arg2[%dma_start3A_11, %dma_start3A_12] : memref<10000x128xf32, #tpu.memory_space<hbm>> -> memref<10000x128xf32, #tpu.memory_space<hbm>>
    tpu.enqueue_indirect_dma source(%dma_start3A_13 : memref<10000x128xf32, #tpu.memory_space<hbm>>) target(%arg10 : memref<100x128xf32, #tpu.memory_space<vmem>>) offsets(%dma_start3A_10 : memref<100xi32, #tpu.memory_space<vmem>>) semaphore(%arg13 : memref<!tpu.dma_semaphore, #tpu.memory_space<semaphore_mem>>)
    %mul3A_14 = arith.constant 640 : i32
    %mul3A_15 = arith.muli %arg1, %mul3A_14 : i32
    "tpu.region"() ({
      %run_scoped3A_40 = tpu.sem_alloc : memref<!tpu.dma_semaphore, #tpu.memory_space<semaphore_mem>>
      %dma_start3A_41 = arith.constant 0 : i32
      %dma_start3A_42 = tpu.memref_slice %arg11[%mul3A_15, %dma_start3A_41] : memref<10240x128xf32, #tpu.memory_space<vmem_shared>> -> memref<640x128xf32, #tpu.memory_space<vmem_shared>>
      tpu.enqueue_dma source(%arg5 : memref<640x128xf32, #tpu.memory_space<hbm>>) target(%dma_start3A_42 : memref<640x128xf32, #tpu.memory_space<vmem_shared>>) target_semaphore(%run_scoped3A_40 : memref<!tpu.dma_semaphore, #tpu.memory_space<semaphore_mem>>)
      %dma_wait3A_43 = arith.constant 0 : i32
      %dma_wait3A_44 = tpu.memref_slice %arg11[%mul3A_15, %dma_wait3A_43] : memref<10240x128xf32, #tpu.memory_space<vmem_shared>> -> memref<640x128xf32, #tpu.memory_space<vmem_shared>>
      tpu.wait_dma2 semaphore(%run_scoped3A_40 : memref<!tpu.dma_semaphore, #tpu.memory_space<semaphore_mem>>) src(%arg5 : memref<640x128xf32, #tpu.memory_space<hbm>>) dst(%dma_wait3A_44 : memref<640x128xf32, #tpu.memory_space<vmem_shared>>)
      tpu.yield
    }) : () -> ()
    %barrier3A = arith.constant 0 : index
    tpu.barrier barrier_id(%barrier3A)
    %scan3A = arith.constant 0 : i32
    %scan3A_16 = arith.constant 0 : i32
    %scan3A_17 = arith.constant 49 : i32
    %scan3A_18 = arith.addi %scan3A_16, %scan3A_17 : i32
    %scan3A_19 = arith.constant 1 : i32
    scf.for %scan3A_40 = %scan3A_16 to %scan3A_18 step %scan3A_19  : i32 {
      %mul3A_41 = arith.constant 2 : i32
      %mul3A_42 = arith.muli %mul3A_41, %scan3A_40 : i32
      %dma_wait3A_43 = arith.constant 0 : i32
      %dma_wait3A_44 = tpu.memref_slice %arg7[%mul3A_42, %dma_wait3A_43] : memref<100x100xi32, #tpu.memory_space<vmem>> -> memref<1x100xi32, #tpu.memory_space<vmem>>
      %dma_wait3A_45 = tpu.memref_squeeze %dma_wait3A_44 : memref<1x100xi32, #tpu.memory_space<vmem>> -> memref<100xi32, #tpu.memory_space<vmem>>
      %dma_wait3A_46 = arith.constant 0 : i32
      %dma_wait3A_47 = arith.constant 0 : i32
      %dma_wait3A_48 = tpu.memref_slice %arg2[%dma_wait3A_46, %dma_wait3A_47] : memref<10000x128xf32, #tpu.memory_space<hbm>> -> memref<10000x128xf32, #tpu.memory_space<hbm>>
      tpu.wait_indirect_dma semaphore(%arg12 : memref<!tpu.dma_semaphore, #tpu.memory_space<semaphore_mem>>) src(%dma_wait3A_48 : memref<10000x128xf32, #tpu.memory_space<hbm>>) dst(%arg9 : memref<100x128xf32, #tpu.memory_space<vmem>>)
      "tpu.region"() ({
        %run_scoped3A_75 = tpu.sem_alloc : memref<!tpu.dma_semaphore, #tpu.memory_space<semaphore_mem>>
        %dma_start3A_76 = arith.constant 0 : i32
        %dma_start3A_77 = tpu.memref_slice %arg8[%mul3A_42, %dma_start3A_76] : memref<100x100xi32, #tpu.memory_space<vmem>> -> memref<1x100xi32, #tpu.memory_space<vmem>>
        %dma_start3A_78 = tpu.memref_squeeze %dma_start3A_77 : memref<1x100xi32, #tpu.memory_space<vmem>> -> memref<100xi32, #tpu.memory_space<vmem>>
        %dma_start3A_79 = arith.constant 0 : i32
        %dma_start3A_80 = arith.constant 0 : i32
        %dma_start3A_81 = tpu.memref_slice %arg11[%dma_start3A_79, %dma_start3A_80] : memref<10240x128xf32, #tpu.memory_space<vmem_shared>> -> memref<10240x128xf32, #tpu.memory_space<vmem_shared>>
        tpu.enqueue_indirect_dma source(%arg9 : memref<100x128xf32, #tpu.memory_space<vmem>>) target(%dma_start3A_81 : memref<10240x128xf32, #tpu.memory_space<vmem_shared>>) offsets(%dma_start3A_78 : memref<100xi32, #tpu.memory_space<vmem>>) semaphore(%run_scoped3A_75 : memref<!tpu.dma_semaphore, #tpu.memory_space<semaphore_mem>>) {add = true}
        %dma_wait3A_82 = arith.constant 0 : i32
        %dma_wait3A_83 = tpu.memref_slice %arg8[%mul3A_42, %dma_wait3A_82] : memref<100x100xi32, #tpu.memory_space<vmem>> -> memref<1x100xi32, #tpu.memory_space<vmem>>
        %dma_wait3A_84 = tpu.memref_squeeze %dma_wait3A_83 : memref<1x100xi32, #tpu.memory_space<vmem>> -> memref<100xi32, #tpu.memory_space<vmem>>
        %dma_wait3A_85 = arith.constant 0 : i32
        %dma_wait3A_86 = arith.constant 0 : i32
        %dma_wait3A_87 = tpu.memref_slice %arg11[%dma_wait3A_85, %dma_wait3A_86] : memref<10240x128xf32, #tpu.memory_space<vmem_shared>> -> memref<10240x128xf32, #tpu.memory_space<vmem_shared>>
        tpu.wait_indirect_dma semaphore(%run_scoped3A_75 : memref<!tpu.dma_semaphore, #tpu.memory_space<semaphore_mem>>) src(%arg9 : memref<100x128xf32, #tpu.memory_space<vmem>>) dst(%dma_wait3A_87 : memref<10240x128xf32, #tpu.memory_space<vmem_shared>>)
        tpu.yield
      }) : () -> ()
      %add3A_49 = arith.constant 2 : i32
      %add3A_50 = arith.addi %mul3A_42, %add3A_49 : i32
      %dma_start3A_51 = arith.constant 0 : i32
      %dma_start3A_52 = tpu.memref_slice %arg7[%add3A_50, %dma_start3A_51] : memref<100x100xi32, #tpu.memory_space<vmem>> -> memref<1x100xi32, #tpu.memory_space<vmem>>
      %dma_start3A_53 = tpu.memref_squeeze %dma_start3A_52 : memref<1x100xi32, #tpu.memory_space<vmem>> -> memref<100xi32, #tpu.memory_space<vmem>>
      %dma_start3A_54 = arith.constant 0 : i32
      %dma_start3A_55 = arith.constant 0 : i32
      %dma_start3A_56 = tpu.memref_slice %arg2[%dma_start3A_54, %dma_start3A_55] : memref<10000x128xf32, #tpu.memory_space<hbm>> -> memref<10000x128xf32, #tpu.memory_space<hbm>>
      tpu.enqueue_indirect_dma source(%dma_start3A_56 : memref<10000x128xf32, #tpu.memory_space<hbm>>) target(%arg9 : memref<100x128xf32, #tpu.memory_space<vmem>>) offsets(%dma_start3A_53 : memref<100xi32, #tpu.memory_space<vmem>>) semaphore(%arg12 : memref<!tpu.dma_semaphore, #tpu.memory_space<semaphore_mem>>)
      %add3A_57 = arith.constant 1 : i32
      %add3A_58 = arith.addi %mul3A_42, %add3A_57 : i32
      %dma_wait3A_59 = arith.constant 0 : i32
      %dma_wait3A_60 = tpu.memref_slice %arg7[%add3A_58, %dma_wait3A_59] : memref<100x100xi32, #tpu.memory_space<vmem>> -> memref<1x100xi32, #tpu.memory_space<vmem>>
      %dma_wait3A_61 = tpu.memref_squeeze %dma_wait3A_60 : memref<1x100xi32, #tpu.memory_space<vmem>> -> memref<100xi32, #tpu.memory_space<vmem>>
      %dma_wait3A_62 = arith.constant 0 : i32
      %dma_wait3A_63 = arith.constant 0 : i32
      %dma_wait3A_64 = tpu.memref_slice %arg2[%dma_wait3A_62, %dma_wait3A_63] : memref<10000x128xf32, #tpu.memory_space<hbm>> -> memref<10000x128xf32, #tpu.memory_space<hbm>>
      tpu.wait_indirect_dma semaphore(%arg13 : memref<!tpu.dma_semaphore, #tpu.memory_space<semaphore_mem>>) src(%dma_wait3A_64 : memref<10000x128xf32, #tpu.memory_space<hbm>>) dst(%arg10 : memref<100x128xf32, #tpu.memory_space<vmem>>)
      %add3A_65 = arith.constant 1 : i32
      %add3A_66 = arith.addi %mul3A_42, %add3A_65 : i32
      "tpu.region"() ({
        %run_scoped3A_75 = tpu.sem_alloc : memref<!tpu.dma_semaphore, #tpu.memory_space<semaphore_mem>>
        %dma_start3A_76 = arith.constant 0 : i32
        %dma_start3A_77 = tpu.memref_slice %arg8[%add3A_66, %dma_start3A_76] : memref<100x100xi32, #tpu.memory_space<vmem>> -> memref<1x100xi32, #tpu.memory_space<vmem>>
        %dma_start3A_78 = tpu.memref_squeeze %dma_start3A_77 : memref<1x100xi32, #tpu.memory_space<vmem>> -> memref<100xi32, #tpu.memory_space<vmem>>
        %dma_start3A_79 = arith.constant 0 : i32
        %dma_start3A_80 = arith.constant 0 : i32
        %dma_start3A_81 = tpu.memref_slice %arg11[%dma_start3A_79, %dma_start3A_80] : memref<10240x128xf32, #tpu.memory_space<vmem_shared>> -> memref<10240x128xf32, #tpu.memory_space<vmem_shared>>
        tpu.enqueue_indirect_dma source(%arg10 : memref<100x128xf32, #tpu.memory_space<vmem>>) target(%dma_start3A_81 : memref<10240x128xf32, #tpu.memory_space<vmem_shared>>) offsets(%dma_start3A_78 : memref<100xi32, #tpu.memory_space<vmem>>) semaphore(%run_scoped3A_75 : memref<!tpu.dma_semaphore, #tpu.memory_space<semaphore_mem>>) {add = true}
        %dma_wait3A_82 = arith.constant 0 : i32
        %dma_wait3A_83 = tpu.memref_slice %arg8[%add3A_66, %dma_wait3A_82] : memref<100x100xi32, #tpu.memory_space<vmem>> -> memref<1x100xi32, #tpu.memory_space<vmem>>
        %dma_wait3A_84 = tpu.memref_squeeze %dma_wait3A_83 : memref<1x100xi32, #tpu.memory_space<vmem>> -> memref<100xi32, #tpu.memory_space<vmem>>
        %dma_wait3A_85 = arith.constant 0 : i32
        %dma_wait3A_86 = arith.constant 0 : i32
        %dma_wait3A_87 = tpu.memref_slice %arg11[%dma_wait3A_85, %dma_wait3A_86] : memref<10240x128xf32, #tpu.memory_space<vmem_shared>> -> memref<10240x128xf32, #tpu.memory_space<vmem_shared>>
        tpu.wait_indirect_dma semaphore(%run_scoped3A_75 : memref<!tpu.dma_semaphore, #tpu.memory_space<semaphore_mem>>) src(%arg10 : memref<100x128xf32, #tpu.memory_space<vmem>>) dst(%dma_wait3A_87 : memref<10240x128xf32, #tpu.memory_space<vmem_shared>>)
        tpu.yield
      }) : () -> ()
      %add3A_67 = arith.constant 3 : i32
      %add3A_68 = arith.addi %mul3A_42, %add3A_67 : i32
      %dma_start3A_69 = arith.constant 0 : i32
      %dma_start3A_70 = tpu.memref_slice %arg7[%add3A_68, %dma_start3A_69] : memref<100x100xi32, #tpu.memory_space<vmem>> -> memref<1x100xi32, #tpu.memory_space<vmem>>
      %dma_start3A_71 = tpu.memref_squeeze %dma_start3A_70 : memref<1x100xi32, #tpu.memory_space<vmem>> -> memref<100xi32, #tpu.memory_space<vmem>>
      %dma_start3A_72 = arith.constant 0 : i32
      %dma_start3A_73 = arith.constant 0 : i32
      %dma_start3A_74 = tpu.memref_slice %arg2[%dma_start3A_72, %dma_start3A_73] : memref<10000x128xf32, #tpu.memory_space<hbm>> -> memref<10000x128xf32, #tpu.memory_space<hbm>>
      tpu.enqueue_indirect_dma source(%dma_start3A_74 : memref<10000x128xf32, #tpu.memory_space<hbm>>) target(%arg10 : memref<100x128xf32, #tpu.memory_space<vmem>>) offsets(%dma_start3A_71 : memref<100xi32, #tpu.memory_space<vmem>>) semaphore(%arg13 : memref<!tpu.dma_semaphore, #tpu.memory_space<semaphore_mem>>)
    }
    %scan3A_20 = arith.constant 49 : i32
    %dma_wait3A = arith.constant 98 : i32
    %dma_wait3A_21 = arith.constant 0 : i32
    %dma_wait3A_22 = tpu.memref_slice %arg7[%dma_wait3A, %dma_wait3A_21] : memref<100x100xi32, #tpu.memory_space<vmem>> -> memref<1x100xi32, #tpu.memory_space<vmem>>
    %dma_wait3A_23 = tpu.memref_squeeze %dma_wait3A_22 : memref<1x100xi32, #tpu.memory_space<vmem>> -> memref<100xi32, #tpu.memory_space<vmem>>
    %dma_wait3A_24 = arith.constant 0 : i32
    %dma_wait3A_25 = arith.constant 0 : i32
    %dma_wait3A_26 = tpu.memref_slice %arg2[%dma_wait3A_24, %dma_wait3A_25] : memref<10000x128xf32, #tpu.memory_space<hbm>> -> memref<10000x128xf32, #tpu.memory_space<hbm>>
    tpu.wait_indirect_dma semaphore(%arg12 : memref<!tpu.dma_semaphore, #tpu.memory_space<semaphore_mem>>) src(%dma_wait3A_26 : memref<10000x128xf32, #tpu.memory_space<hbm>>) dst(%arg9 : memref<100x128xf32, #tpu.memory_space<vmem>>)
    %run_scoped3A = arith.constant 98 : i32
    "tpu.region"() ({
      %run_scoped3A_40 = tpu.sem_alloc : memref<!tpu.dma_semaphore, #tpu.memory_space<semaphore_mem>>
      %dma_start3A_41 = arith.constant 0 : i32
      %dma_start3A_42 = tpu.memref_slice %arg8[%run_scoped3A, %dma_start3A_41] : memref<100x100xi32, #tpu.memory_space<vmem>> -> memref<1x100xi32, #tpu.memory_space<vmem>>
      %dma_start3A_43 = tpu.memref_squeeze %dma_start3A_42 : memref<1x100xi32, #tpu.memory_space<vmem>> -> memref<100xi32, #tpu.memory_space<vmem>>
      %dma_start3A_44 = arith.constant 0 : i32
      %dma_start3A_45 = arith.constant 0 : i32
      %dma_start3A_46 = tpu.memref_slice %arg11[%dma_start3A_44, %dma_start3A_45] : memref<10240x128xf32, #tpu.memory_space<vmem_shared>> -> memref<10240x128xf32, #tpu.memory_space<vmem_shared>>
      tpu.enqueue_indirect_dma source(%arg9 : memref<100x128xf32, #tpu.memory_space<vmem>>) target(%dma_start3A_46 : memref<10240x128xf32, #tpu.memory_space<vmem_shared>>) offsets(%dma_start3A_43 : memref<100xi32, #tpu.memory_space<vmem>>) semaphore(%run_scoped3A_40 : memref<!tpu.dma_semaphore, #tpu.memory_space<semaphore_mem>>) {add = true}
      %dma_wait3A_47 = arith.constant 0 : i32
      %dma_wait3A_48 = tpu.memref_slice %arg8[%run_scoped3A, %dma_wait3A_47] : memref<100x100xi32, #tpu.memory_space<vmem>> -> memref<1x100xi32, #tpu.memory_space<vmem>>
      %dma_wait3A_49 = tpu.memref_squeeze %dma_wait3A_48 : memref<1x100xi32, #tpu.memory_space<vmem>> -> memref<100xi32, #tpu.memory_space<vmem>>
      %dma_wait3A_50 = arith.constant 0 : i32
      %dma_wait3A_51 = arith.constant 0 : i32
      %dma_wait3A_52 = tpu.memref_slice %arg11[%dma_wait3A_50, %dma_wait3A_51] : memref<10240x128xf32, #tpu.memory_space<vmem_shared>> -> memref<10240x128xf32, #tpu.memory_space<vmem_shared>>
      tpu.wait_indirect_dma semaphore(%run_scoped3A_40 : memref<!tpu.dma_semaphore, #tpu.memory_space<semaphore_mem>>) src(%arg9 : memref<100x128xf32, #tpu.memory_space<vmem>>) dst(%dma_wait3A_52 : memref<10240x128xf32, #tpu.memory_space<vmem_shared>>)
      tpu.yield
    }) : () -> ()
    %dma_wait3A_27 = arith.constant 99 : i32
    %dma_wait3A_28 = arith.constant 0 : i32
    %dma_wait3A_29 = tpu.memref_slice %arg7[%dma_wait3A_27, %dma_wait3A_28] : memref<100x100xi32, #tpu.memory_space<vmem>> -> memref<1x100xi32, #tpu.memory_space<vmem>>
    %dma_wait3A_30 = tpu.memref_squeeze %dma_wait3A_29 : memref<1x100xi32, #tpu.memory_space<vmem>> -> memref<100xi32, #tpu.memory_space<vmem>>
    %dma_wait3A_31 = arith.constant 0 : i32
    %dma_wait3A_32 = arith.constant 0 : i32
    %dma_wait3A_33 = tpu.memref_slice %arg2[%dma_wait3A_31, %dma_wait3A_32] : memref<10000x128xf32, #tpu.memory_space<hbm>> -> memref<10000x128xf32, #tpu.memory_space<hbm>>
    tpu.wait_indirect_dma semaphore(%arg13 : memref<!tpu.dma_semaphore, #tpu.memory_space<semaphore_mem>>) src(%dma_wait3A_33 : memref<10000x128xf32, #tpu.memory_space<hbm>>) dst(%arg10 : memref<100x128xf32, #tpu.memory_space<vmem>>)
    %run_scoped3A_34 = arith.constant 99 : i32
    "tpu.region"() ({
      %run_scoped3A_40 = tpu.sem_alloc : memref<!tpu.dma_semaphore, #tpu.memory_space<semaphore_mem>>
      %dma_start3A_41 = arith.constant 0 : i32
      %dma_start3A_42 = tpu.memref_slice %arg8[%run_scoped3A_34, %dma_start3A_41] : memref<100x100xi32, #tpu.memory_space<vmem>> -> memref<1x100xi32, #tpu.memory_space<vmem>>
      %dma_start3A_43 = tpu.memref_squeeze %dma_start3A_42 : memref<1x100xi32, #tpu.memory_space<vmem>> -> memref<100xi32, #tpu.memory_space<vmem>>
      %dma_start3A_44 = arith.constant 0 : i32
      %dma_start3A_45 = arith.constant 0 : i32
      %dma_start3A_46 = tpu.memref_slice %arg11[%dma_start3A_44, %dma_start3A_45] : memref<10240x128xf32, #tpu.memory_space<vmem_shared>> -> memref<10240x128xf32, #tpu.memory_space<vmem_shared>>
      tpu.enqueue_indirect_dma source(%arg10 : memref<100x128xf32, #tpu.memory_space<vmem>>) target(%dma_start3A_46 : memref<10240x128xf32, #tpu.memory_space<vmem_shared>>) offsets(%dma_start3A_43 : memref<100xi32, #tpu.memory_space<vmem>>) semaphore(%run_scoped3A_40 : memref<!tpu.dma_semaphore, #tpu.memory_space<semaphore_mem>>) {add = true}
      %dma_wait3A_47 = arith.constant 0 : i32
      %dma_wait3A_48 = tpu.memref_slice %arg8[%run_scoped3A_34, %dma_wait3A_47] : memref<100x100xi32, #tpu.memory_space<vmem>> -> memref<1x100xi32, #tpu.memory_space<vmem>>
      %dma_wait3A_49 = tpu.memref_squeeze %dma_wait3A_48 : memref<1x100xi32, #tpu.memory_space<vmem>> -> memref<100xi32, #tpu.memory_space<vmem>>
      %dma_wait3A_50 = arith.constant 0 : i32
      %dma_wait3A_51 = arith.constant 0 : i32
      %dma_wait3A_52 = tpu.memref_slice %arg11[%dma_wait3A_50, %dma_wait3A_51] : memref<10240x128xf32, #tpu.memory_space<vmem_shared>> -> memref<10240x128xf32, #tpu.memory_space<vmem_shared>>
      tpu.wait_indirect_dma semaphore(%run_scoped3A_40 : memref<!tpu.dma_semaphore, #tpu.memory_space<semaphore_mem>>) src(%arg10 : memref<100x128xf32, #tpu.memory_space<vmem>>) dst(%dma_wait3A_52 : memref<10240x128xf32, #tpu.memory_space<vmem_shared>>)
      tpu.yield
    }) : () -> ()
    %barrier3A_35 = arith.constant 0 : index
    tpu.barrier barrier_id(%barrier3A_35)
    %mul3A_36 = arith.constant 640 : i32
    %mul3A_37 = arith.muli %arg1, %mul3A_36 : i32
    %mul3A_38 = arith.constant 640 : i32
    %mul3A_39 = arith.muli %arg1, %mul3A_38 : i32
    "tpu.region"() ({
      %run_scoped3A_40 = tpu.sem_alloc : memref<!tpu.dma_semaphore, #tpu.memory_space<semaphore_mem>>
      %dma_start3A_41 = arith.constant 0 : i32
      %dma_start3A_42 = tpu.memref_slice %arg6[%arg0, %mul3A_39, %dma_start3A_41] : memref<2x10240x128xf32, #tpu.memory_space<hbm>> -> memref<1x640x128xf32, #tpu.memory_space<hbm>>
      %dma_start3A_43 = tpu.memref_squeeze %dma_start3A_42 : memref<1x640x128xf32, #tpu.memory_space<hbm>> -> memref<640x128xf32, #tpu.memory_space<hbm>>
      %dma_start3A_44 = arith.constant 0 : i32
      %dma_start3A_45 = tpu.memref_slice %arg11[%mul3A_37, %dma_start3A_44] : memref<10240x128xf32, #tpu.memory_space<vmem_shared>> -> memref<640x128xf32, #tpu.memory_space<vmem_shared>>
      tpu.enqueue_dma source(%dma_start3A_45 : memref<640x128xf32, #tpu.memory_space<vmem_shared>>) target(%dma_start3A_43 : memref<640x128xf32, #tpu.memory_space<hbm>>) target_semaphore(%run_scoped3A_40 : memref<!tpu.dma_semaphore, #tpu.memory_space<semaphore_mem>>)
      %dma_wait3A_46 = arith.constant 0 : i32
      %dma_wait3A_47 = tpu.memref_slice %arg6[%arg0, %mul3A_39, %dma_wait3A_46] : memref<2x10240x128xf32, #tpu.memory_space<hbm>> -> memref<1x640x128xf32, #tpu.memory_space<hbm>>
      %dma_wait3A_48 = tpu.memref_squeeze %dma_wait3A_47 : memref<1x640x128xf32, #tpu.memory_space<hbm>> -> memref<640x128xf32, #tpu.memory_space<hbm>>
      %dma_wait3A_49 = arith.constant 0 : i32
      %dma_wait3A_50 = tpu.memref_slice %arg11[%mul3A_37, %dma_wait3A_49] : memref<10240x128xf32, #tpu.memory_space<vmem_shared>> -> memref<640x128xf32, #tpu.memory_space<vmem_shared>>
      tpu.wait_dma2 semaphore(%run_scoped3A_40 : memref<!tpu.dma_semaphore, #tpu.memory_space<semaphore_mem>>) src(%dma_wait3A_50 : memref<640x128xf32, #tpu.memory_space<vmem_shared>>) dst(%dma_wait3A_48 : memref<640x128xf32, #tpu.memory_space<hbm>>)
      tpu.yield
    }) : () -> ()
    return
  }
}

#map = affine_map<(d0, d1) -> (0, 0)>
#map1 = affine_map<(d0, d1) -> (0, 0, 0)>
module attributes {stable_mosaic.version = 14 : i64} {
  func.func @body(%arg0: i32, %arg1: i32, %arg2: memref<10000x128xf32, #tpu.memory_space<hbm>>, %arg3: memref<32x100x100xi32, #tpu.memory_space<hbm>>, %arg4: memref<32x100x100xi32, #tpu.memory_space<hbm>>, %arg5: memref<640x128xf32, #tpu.memory_space<hbm>>, %arg6: memref<2x10240x128xf32, #tpu.memory_space<hbm>>, %arg7: memref<100x100xi32, #tpu.memory_space<vmem>>, %arg8: memref<100x100xi32, #tpu.memory_space<vmem>>, %arg9: memref<100x128xf32, #tpu.memory_space<vmem>>, %arg10: memref<100x128xf32, #tpu.memory_space<vmem>>, %arg11: memref<10240x128xf32, #tpu.memory_space<vmem_shared>>, %arg12: memref<!tpu.dma_semaphore, #tpu.memory_space<semaphore_mem>>, %arg13: memref<!tpu.dma_semaphore, #tpu.memory_space<semaphore_mem>>) attributes {dimension_semantics = [#tpu.dimension_semantics<core_parallel>, #tpu.dimension_semantics<subcore_parallel>], iteration_bounds = array<i64: 2, 16>, scalar_prefetch = 0 : i64, scratch_operands = 7 : i64, tpu.core_type = #tpu.core_type<sc_vector_subcore>, window_params = [{transform_indices = #map}, {transform_indices = #map1}, {transform_indices = #map1}, {transform_indices = #map}, {transform_indices = #map1}]} {
    %mul3A = arith.constant 2 : i32
    %mul3A_0 = arith.muli %arg1, %mul3A : i32
    %add3A = arith.addi %mul3A_0, %arg0 : i32
    "tpu.region"() ({
      %run_scoped3A_40 = tpu.sem_alloc : memref<!tpu.dma_semaphore, #tpu.memory_space<semaphore_mem>>
      %dma_start3A_41 = arith.constant 0 : i32
      %dma_start3A_42 = arith.constant 0 : i32
      %dma_start3A_43 = tpu.memref_slice %arg3[%add3A, %dma_start3A_41, %dma_start3A_42] : memref<32x100x100xi32, #tpu.memory_space<hbm>> -> memref<1x100x100xi32, #tpu.memory_space<hbm>>
      %dma_start3A_44 = tpu.memref_squeeze %dma_start3A_43 : memref<1x100x100xi32, #tpu.memory_space<hbm>> -> memref<100x100xi32, #tpu.memory_space<hbm>>
      %dma_start3A_45 = arith.constant 0 : i32
      %dma_start3A_46 = arith.constant 0 : i32
      %dma_start3A_47 = tpu.memref_slice %arg3[%add3A, %dma_start3A_45, %dma_start3A_46] : memref<32x100x100xi32, #tpu.memory_space<hbm>> -> memref<1x100x100xi32, #tpu.memory_space<hbm>>
      %dma_start3A_48 = tpu.memref_squeeze %dma_start3A_47 : memref<1x100x100xi32, #tpu.memory_space<hbm>> -> memref<100x100xi32, #tpu.memory_space<hbm>>
      tpu.enqueue_dma source(%dma_start3A_48 : memref<100x100xi32, #tpu.memory_space<hbm>>) target(%arg7 : memref<100x100xi32, #tpu.memory_space<vmem>>) target_semaphore(%run_scoped3A_40 : memref<!tpu.dma_semaphore, #tpu.memory_space<semaphore_mem>>)
      %dma_wait3A_49 = arith.constant 0 : i32
      %dma_wait3A_50 = arith.constant 0 : i32
      %dma_wait3A_51 = tpu.memref_slice %arg3[%add3A, %dma_wait3A_49, %dma_wait3A_50] : memref<32x100x100xi32, #tpu.memory_space<hbm>> -> memref<1x100x100xi32, #tpu.memory_space<hbm>>
      %dma_wait3A_52 = tpu.memref_squeeze %dma_wait3A_51 : memref<1x100x100xi32, #tpu.memory_space<hbm>> -> memref<100x100xi32, #tpu.memory_space<hbm>>
      %dma_wait3A_53 = arith.constant 0 : i32
      %dma_wait3A_54 = arith.constant 0 : i32
      %dma_wait3A_55 = tpu.memref_slice %arg3[%add3A, %dma_wait3A_53, %dma_wait3A_54] : memref<32x100x100xi32, #tpu.memory_space<hbm>> -> memref<1x100x100xi32, #tpu.memory_space<hbm>>
      %dma_wait3A_56 = tpu.memref_squeeze %dma_wait3A_55 : memref<1x100x100xi32, #tpu.memory_space<hbm>> -> memref<100x100xi32, #tpu.memory_space<hbm>>
      tpu.wait_dma2 semaphore(%run_scoped3A_40 : memref<!tpu.dma_semaphore, #tpu.memory_space<semaphore_mem>>) src(%dma_wait3A_56 : memref<100x100xi32, #tpu.memory_space<hbm>>) dst(%arg7 : memref<100x100xi32, #tpu.memory_space<vmem>>)
      tpu.yield
    }) : () -> ()
    "tpu.region"() ({
      %run_scoped3A_40 = tpu.sem_alloc : memref<!tpu.dma_semaphore, #tpu.memory_space<semaphore_mem>>
      %dma_start3A_41 = arith.constant 0 : i32
      %dma_start3A_42 = arith.constant 0 : i32
      %dma_start3A_43 = tpu.memref_slice %arg4[%add3A, %dma_start3A_41, %dma_start3A_42] : memref<32x100x100xi32, #tpu.memory_space<hbm>> -> memref<1x100x100xi32, #tpu.memory_space<hbm>>
      %dma_start3A_44 = tpu.memref_squeeze %dma_start3A_43 : memref<1x100x100xi32, #tpu.memory_space<hbm>> -> memref<100x100xi32, #tpu.memory_space<hbm>>
      %dma_start3A_45 = arith.constant 0 : i32
      %dma_start3A_46 = arith.constant 0 : i32
      %dma_start3A_47 = tpu.memref_slice %arg4[%add3A, %dma_start3A_45, %dma_start3A_46] : memref<32x100x100xi32, #tpu.memory_space<hbm>> -> memref<1x100x100xi32, #tpu.memory_space<hbm>>
      %dma_start3A_48 = tpu.memref_squeeze %dma_start3A_47 : memref<1x100x100xi32, #tpu.memory_space<hbm>> -> memref<100x100xi32, #tpu.memory_space<hbm>>
      tpu.enqueue_dma source(%dma_start3A_48 : memref<100x100xi32, #tpu.memory_space<hbm>>) target(%arg8 : memref<100x100xi32, #tpu.memory_space<vmem>>) target_semaphore(%run_scoped3A_40 : memref<!tpu.dma_semaphore, #tpu.memory_space<semaphore_mem>>)
      %dma_wait3A_49 = arith.constant 0 : i32
      %dma_wait3A_50 = arith.constant 0 : i32
      %dma_wait3A_51 = tpu.memref_slice %arg4[%add3A, %dma_wait3A_49, %dma_wait3A_50] : memref<32x100x100xi32, #tpu.memory_space<hbm>> -> memref<1x100x100xi32, #tpu.memory_space<hbm>>
      %dma_wait3A_52 = tpu.memref_squeeze %dma_wait3A_51 : memref<1x100x100xi32, #tpu.memory_space<hbm>> -> memref<100x100xi32, #tpu.memory_space<hbm>>
      %dma_wait3A_53 = arith.constant 0 : i32
      %dma_wait3A_54 = arith.constant 0 : i32
      %dma_wait3A_55 = tpu.memref_slice %arg4[%add3A, %dma_wait3A_53, %dma_wait3A_54] : memref<32x100x100xi32, #tpu.memory_space<hbm>> -> memref<1x100x100xi32, #tpu.memory_space<hbm>>
      %dma_wait3A_56 = tpu.memref_squeeze %dma_wait3A_55 : memref<1x100x100xi32, #tpu.memory_space<hbm>> -> memref<100x100xi32, #tpu.memory_space<hbm>>
      tpu.wait_dma2 semaphore(%run_scoped3A_40 : memref<!tpu.dma_semaphore, #tpu.memory_space<semaphore_mem>>) src(%dma_wait3A_56 : memref<100x100xi32, #tpu.memory_space<hbm>>) dst(%arg8 : memref<100x100xi32, #tpu.memory_space<vmem>>)
      tpu.yield
    }) : () -> ()
    %dma_start3A = arith.constant 0 : i32
    %dma_start3A_1 = arith.constant 0 : i32
    %dma_start3A_2 = tpu.memref_slice %arg7[%dma_start3A, %dma_start3A_1] : memref<100x100xi32, #tpu.memory_space<vmem>> -> memref<1x100xi32, #tpu.memory_space<vmem>>
    %dma_start3A_3 = tpu.memref_squeeze %dma_start3A_2 : memref<1x100xi32, #tpu.memory_space<vmem>> -> memref<100xi32, #tpu.memory_space<vmem>>
    %dma_start3A_4 = arith.constant 0 : i32
    %dma_start3A_5 = arith.constant 0 : i32
    %dma_start3A_6 = tpu.memref_slice %arg2[%dma_start3A_4, %dma_start3A_5] : memref<10000x128xf32, #tpu.memory_space<hbm>> -> memref<10000x128xf32, #tpu.memory_space<hbm>>
    tpu.enqueue_indirect_dma source(%dma_start3A_6 : memref<10000x128xf32, #tpu.memory_space<hbm>>) target(%arg9 : memref<100x128xf32, #tpu.memory_space<vmem>>) offsets(%dma_start3A_3 : memref<100xi32, #tpu.memory_space<vmem>>) semaphore(%arg12 : memref<!tpu.dma_semaphore, #tpu.memory_space<semaphore_mem>>)
    %dma_start3A_7 = arith.constant 1 : i32
    %dma_start3A_8 = arith.constant 0 : i32
    %dma_start3A_9 = tpu.memref_slice %arg7[%dma_start3A_7, %dma_start3A_8] : memref<100x100xi32, #tpu.memory_space<vmem>> -> memref<1x100xi32, #tpu.memory_space<vmem>>
    %dma_start3A_10 = tpu.memref_squeeze %dma_start3A_9 : memref<1x100xi32, #tpu.memory_space<vmem>> -> memref<100xi32, #tpu.memory_space<vmem>>
    %dma_start3A_11 = arith.constant 0 : i32
    %dma_start3A_12 = arith.constant 0 : i32
    %dma_start3A_13 = tpu.memref_slice %arg2[%dma_start3A_11, %dma_start3A_12] : memref<10000x128xf32, #tpu.memory_space<hbm>> -> memref<10000x128xf32, #tpu.memory_space<hbm>>
    tpu.enqueue_indirect_dma source(%dma_start3A_13 : memref<10000x128xf32, #tpu.memory_space<hbm>>) target(%arg10 : memref<100x128xf32, #tpu.memory_space<vmem>>) offsets(%dma_start3A_10 : memref<100xi32, #tpu.memory_space<vmem>>) semaphore(%arg13 : memref<!tpu.dma_semaphore, #tpu.memory_space<semaphore_mem>>)
    %mul3A_14 = arith.constant 640 : i32
    %mul3A_15 = arith.muli %arg1, %mul3A_14 : i32
    "tpu.region"() ({
      %run_scoped3A_40 = tpu.sem_alloc : memref<!tpu.dma_semaphore, #tpu.memory_space<semaphore_mem>>
      %dma_start3A_41 = arith.constant 0 : i32
      %dma_start3A_42 = tpu.memref_slice %arg11[%mul3A_15, %dma_start3A_41] : memref<10240x128xf32, #tpu.memory_space<vmem_shared>> -> memref<640x128xf32, #tpu.memory_space<vmem_shared>>
      tpu.enqueue_dma source(%arg5 : memref<640x128xf32, #tpu.memory_space<hbm>>) target(%dma_start3A_42 : memref<640x128xf32, #tpu.memory_space<vmem_shared>>) target_semaphore(%run_scoped3A_40 : memref<!tpu.dma_semaphore, #tpu.memory_space<semaphore_mem>>)
      %dma_wait3A_43 = arith.constant 0 : i32
      %dma_wait3A_44 = tpu.memref_slice %arg11[%mul3A_15, %dma_wait3A_43] : memref<10240x128xf32, #tpu.memory_space<vmem_shared>> -> memref<640x128xf32, #tpu.memory_space<vmem_shared>>
      tpu.wait_dma2 semaphore(%run_scoped3A_40 : memref<!tpu.dma_semaphore, #tpu.memory_space<semaphore_mem>>) src(%arg5 : memref<640x128xf32, #tpu.memory_space<hbm>>) dst(%dma_wait3A_44 : memref<640x128xf32, #tpu.memory_space<vmem_shared>>)
      tpu.yield
    }) : () -> ()
    %barrier3A = arith.constant 0 : index
    tpu.barrier barrier_id(%barrier3A)
    %scan3A = arith.constant 0 : i32
    %scan3A_16 = arith.constant 0 : i32
    %scan3A_17 = arith.constant 49 : i32
    %scan3A_18 = arith.addi %scan3A_16, %scan3A_17 : i32
    %scan3A_19 = arith.constant 1 : i32
    scf.for %scan3A_40 = %scan3A_16 to %scan3A_18 step %scan3A_19  : i32 {
      %mul3A_41 = arith.constant 2 : i32
      %mul3A_42 = arith.muli %mul3A_41, %scan3A_40 : i32
      %dma_wait3A_43 = arith.constant 0 : i32
      %dma_wait3A_44 = tpu.memref_slice %arg7[%mul3A_42, %dma_wait3A_43] : memref<100x100xi32, #tpu.memory_space<vmem>> -> memref<1x100xi32, #tpu.memory_space<vmem>>
      %dma_wait3A_45 = tpu.memref_squeeze %dma_wait3A_44 : memref<1x100xi32, #tpu.memory_space<vmem>> -> memref<100xi32, #tpu.memory_space<vmem>>
      %dma_wait3A_46 = arith.constant 0 : i32
      %dma_wait3A_47 = arith.constant 0 : i32
      %dma_wait3A_48 = tpu.memref_slice %arg2[%dma_wait3A_46, %dma_wait3A_47] : memref<10000x128xf32, #tpu.memory_space<hbm>> -> memref<10000x128xf32, #tpu.memory_space<hbm>>
      tpu.wait_indirect_dma semaphore(%arg12 : memref<!tpu.dma_semaphore, #tpu.memory_space<semaphore_mem>>) src(%dma_wait3A_48 : memref<10000x128xf32, #tpu.memory_space<hbm>>) dst(%arg9 : memref<100x128xf32, #tpu.memory_space<vmem>>)
      "tpu.region"() ({
        %run_scoped3A_75 = tpu.sem_alloc : memref<!tpu.dma_semaphore, #tpu.memory_space<semaphore_mem>>
        %dma_start3A_76 = arith.constant 0 : i32
        %dma_start3A_77 = tpu.memref_slice %arg8[%mul3A_42, %dma_start3A_76] : memref<100x100xi32, #tpu.memory_space<vmem>> -> memref<1x100xi32, #tpu.memory_space<vmem>>
        %dma_start3A_78 = tpu.memref_squeeze %dma_start3A_77 : memref<1x100xi32, #tpu.memory_space<vmem>> -> memref<100xi32, #tpu.memory_space<vmem>>
        %dma_start3A_79 = arith.constant 0 : i32
        %dma_start3A_80 = arith.constant 0 : i32
        %dma_start3A_81 = tpu.memref_slice %arg11[%dma_start3A_79, %dma_start3A_80] : memref<10240x128xf32, #tpu.memory_space<vmem_shared>> -> memref<10240x128xf32, #tpu.memory_space<vmem_shared>>
        tpu.enqueue_indirect_dma source(%arg9 : memref<100x128xf32, #tpu.memory_space<vmem>>) target(%dma_start3A_81 : memref<10240x128xf32, #tpu.memory_space<vmem_shared>>) offsets(%dma_start3A_78 : memref<100xi32, #tpu.memory_space<vmem>>) semaphore(%run_scoped3A_75 : memref<!tpu.dma_semaphore, #tpu.memory_space<semaphore_mem>>) {add = true}
        %dma_wait3A_82 = arith.constant 0 : i32
        %dma_wait3A_83 = tpu.memref_slice %arg8[%mul3A_42, %dma_wait3A_82] : memref<100x100xi32, #tpu.memory_space<vmem>> -> memref<1x100xi32, #tpu.memory_space<vmem>>
        %dma_wait3A_84 = tpu.memref_squeeze %dma_wait3A_83 : memref<1x100xi32, #tpu.memory_space<vmem>> -> memref<100xi32, #tpu.memory_space<vmem>>
        %dma_wait3A_85 = arith.constant 0 : i32
        %dma_wait3A_86 = arith.constant 0 : i32
        %dma_wait3A_87 = tpu.memref_slice %arg11[%dma_wait3A_85, %dma_wait3A_86] : memref<10240x128xf32, #tpu.memory_space<vmem_shared>> -> memref<10240x128xf32, #tpu.memory_space<vmem_shared>>
        tpu.wait_indirect_dma semaphore(%run_scoped3A_75 : memref<!tpu.dma_semaphore, #tpu.memory_space<semaphore_mem>>) src(%arg9 : memref<100x128xf32, #tpu.memory_space<vmem>>) dst(%dma_wait3A_87 : memref<10240x128xf32, #tpu.memory_space<vmem_shared>>)
        tpu.yield
      }) : () -> ()
      %add3A_49 = arith.constant 2 : i32
      %add3A_50 = arith.addi %mul3A_42, %add3A_49 : i32
      %dma_start3A_51 = arith.constant 0 : i32
      %dma_start3A_52 = tpu.memref_slice %arg7[%add3A_50, %dma_start3A_51] : memref<100x100xi32, #tpu.memory_space<vmem>> -> memref<1x100xi32, #tpu.memory_space<vmem>>
      %dma_start3A_53 = tpu.memref_squeeze %dma_start3A_52 : memref<1x100xi32, #tpu.memory_space<vmem>> -> memref<100xi32, #tpu.memory_space<vmem>>
      %dma_start3A_54 = arith.constant 0 : i32
      %dma_start3A_55 = arith.constant 0 : i32
      %dma_start3A_56 = tpu.memref_slice %arg2[%dma_start3A_54, %dma_start3A_55] : memref<10000x128xf32, #tpu.memory_space<hbm>> -> memref<10000x128xf32, #tpu.memory_space<hbm>>
      tpu.enqueue_indirect_dma source(%dma_start3A_56 : memref<10000x128xf32, #tpu.memory_space<hbm>>) target(%arg9 : memref<100x128xf32, #tpu.memory_space<vmem>>) offsets(%dma_start3A_53 : memref<100xi32, #tpu.memory_space<vmem>>) semaphore(%arg12 : memref<!tpu.dma_semaphore, #tpu.memory_space<semaphore_mem>>)
      %add3A_57 = arith.constant 1 : i32
      %add3A_58 = arith.addi %mul3A_42, %add3A_57 : i32
      %dma_wait3A_59 = arith.constant 0 : i32
      %dma_wait3A_60 = tpu.memref_slice %arg7[%add3A_58, %dma_wait3A_59] : memref<100x100xi32, #tpu.memory_space<vmem>> -> memref<1x100xi32, #tpu.memory_space<vmem>>
      %dma_wait3A_61 = tpu.memref_squeeze %dma_wait3A_60 : memref<1x100xi32, #tpu.memory_space<vmem>> -> memref<100xi32, #tpu.memory_space<vmem>>
      %dma_wait3A_62 = arith.constant 0 : i32
      %dma_wait3A_63 = arith.constant 0 : i32
      %dma_wait3A_64 = tpu.memref_slice %arg2[%dma_wait3A_62, %dma_wait3A_63] : memref<10000x128xf32, #tpu.memory_space<hbm>> -> memref<10000x128xf32, #tpu.memory_space<hbm>>
      tpu.wait_indirect_dma semaphore(%arg13 : memref<!tpu.dma_semaphore, #tpu.memory_space<semaphore_mem>>) src(%dma_wait3A_64 : memref<10000x128xf32, #tpu.memory_space<hbm>>) dst(%arg10 : memref<100x128xf32, #tpu.memory_space<vmem>>)
      %add3A_65 = arith.constant 1 : i32
      %add3A_66 = arith.addi %mul3A_42, %add3A_65 : i32
      "tpu.region"() ({
        %run_scoped3A_75 = tpu.sem_alloc : memref<!tpu.dma_semaphore, #tpu.memory_space<semaphore_mem>>
        %dma_start3A_76 = arith.constant 0 : i32
        %dma_start3A_77 = tpu.memref_slice %arg8[%add3A_66, %dma_start3A_76] : memref<100x100xi32, #tpu.memory_space<vmem>> -> memref<1x100xi32, #tpu.memory_space<vmem>>
        %dma_start3A_78 = tpu.memref_squeeze %dma_start3A_77 : memref<1x100xi32, #tpu.memory_space<vmem>> -> memref<100xi32, #tpu.memory_space<vmem>>
        %dma_start3A_79 = arith.constant 0 : i32
        %dma_start3A_80 = arith.constant 0 : i32
        %dma_start3A_81 = tpu.memref_slice %arg11[%dma_start3A_79, %dma_start3A_80] : memref<10240x128xf32, #tpu.memory_space<vmem_shared>> -> memref<10240x128xf32, #tpu.memory_space<vmem_shared>>
        tpu.enqueue_indirect_dma source(%arg10 : memref<100x128xf32, #tpu.memory_space<vmem>>) target(%dma_start3A_81 : memref<10240x128xf32, #tpu.memory_space<vmem_shared>>) offsets(%dma_start3A_78 : memref<100xi32, #tpu.memory_space<vmem>>) semaphore(%run_scoped3A_75 : memref<!tpu.dma_semaphore, #tpu.memory_space<semaphore_mem>>) {add = true}
        %dma_wait3A_82 = arith.constant 0 : i32
        %dma_wait3A_83 = tpu.memref_slice %arg8[%add3A_66, %dma_wait3A_82] : memref<100x100xi32, #tpu.memory_space<vmem>> -> memref<1x100xi32, #tpu.memory_space<vmem>>
        %dma_wait3A_84 = tpu.memref_squeeze %dma_wait3A_83 : memref<1x100xi32, #tpu.memory_space<vmem>> -> memref<100xi32, #tpu.memory_space<vmem>>
        %dma_wait3A_85 = arith.constant 0 : i32
        %dma_wait3A_86 = arith.constant 0 : i32
        %dma_wait3A_87 = tpu.memref_slice %arg11[%dma_wait3A_85, %dma_wait3A_86] : memref<10240x128xf32, #tpu.memory_space<vmem_shared>> -> memref<10240x128xf32, #tpu.memory_space<vmem_shared>>
        tpu.wait_indirect_dma semaphore(%run_scoped3A_75 : memref<!tpu.dma_semaphore, #tpu.memory_space<semaphore_mem>>) src(%arg10 : memref<100x128xf32, #tpu.memory_space<vmem>>) dst(%dma_wait3A_87 : memref<10240x128xf32, #tpu.memory_space<vmem_shared>>)
        tpu.yield
      }) : () -> ()
      %add3A_67 = arith.constant 3 : i32
      %add3A_68 = arith.addi %mul3A_42, %add3A_67 : i32
      %dma_start3A_69 = arith.constant 0 : i32
      %dma_start3A_70 = tpu.memref_slice %arg7[%add3A_68, %dma_start3A_69] : memref<100x100xi32, #tpu.memory_space<vmem>> -> memref<1x100xi32, #tpu.memory_space<vmem>>
      %dma_start3A_71 = tpu.memref_squeeze %dma_start3A_70 : memref<1x100xi32, #tpu.memory_space<vmem>> -> memref<100xi32, #tpu.memory_space<vmem>>
      %dma_start3A_72 = arith.constant 0 : i32
      %dma_start3A_73 = arith.constant 0 : i32
      %dma_start3A_74 = tpu.memref_slice %arg2[%dma_start3A_72, %dma_start3A_73] : memref<10000x128xf32, #tpu.memory_space<hbm>> -> memref<10000x128xf32, #tpu.memory_space<hbm>>
      tpu.enqueue_indirect_dma source(%dma_start3A_74 : memref<10000x128xf32, #tpu.memory_space<hbm>>) target(%arg10 : memref<100x128xf32, #tpu.memory_space<vmem>>) offsets(%dma_start3A_71 : memref<100xi32, #tpu.memory_space<vmem>>) semaphore(%arg13 : memref<!tpu.dma_semaphore, #tpu.memory_space<semaphore_mem>>)
    }
    %scan3A_20 = arith.constant 49 : i32
    %dma_wait3A = arith.constant 98 : i32
    %dma_wait3A_21 = arith.constant 0 : i32
    %dma_wait3A_22 = tpu.memref_slice %arg7[%dma_wait3A, %dma_wait3A_21] : memref<100x100xi32, #tpu.memory_space<vmem>> -> memref<1x100xi32, #tpu.memory_space<vmem>>
    %dma_wait3A_23 = tpu.memref_squeeze %dma_wait3A_22 : memref<1x100xi32, #tpu.memory_space<vmem>> -> memref<100xi32, #tpu.memory_space<vmem>>
    %dma_wait3A_24 = arith.constant 0 : i32
    %dma_wait3A_25 = arith.constant 0 : i32
    %dma_wait3A_26 = tpu.memref_slice %arg2[%dma_wait3A_24, %dma_wait3A_25] : memref<10000x128xf32, #tpu.memory_space<hbm>> -> memref<10000x128xf32, #tpu.memory_space<hbm>>
    tpu.wait_indirect_dma semaphore(%arg12 : memref<!tpu.dma_semaphore, #tpu.memory_space<semaphore_mem>>) src(%dma_wait3A_26 : memref<10000x128xf32, #tpu.memory_space<hbm>>) dst(%arg9 : memref<100x128xf32, #tpu.memory_space<vmem>>)
    %run_scoped3A = arith.constant 98 : i32
    "tpu.region"() ({
      %run_scoped3A_40 = tpu.sem_alloc : memref<!tpu.dma_semaphore, #tpu.memory_space<semaphore_mem>>
      %dma_start3A_41 = arith.constant 0 : i32
      %dma_start3A_42 = tpu.memref_slice %arg8[%run_scoped3A, %dma_start3A_41] : memref<100x100xi32, #tpu.memory_space<vmem>> -> memref<1x100xi32, #tpu.memory_space<vmem>>
      %dma_start3A_43 = tpu.memref_squeeze %dma_start3A_42 : memref<1x100xi32, #tpu.memory_space<vmem>> -> memref<100xi32, #tpu.memory_space<vmem>>
      %dma_start3A_44 = arith.constant 0 : i32
      %dma_start3A_45 = arith.constant 0 : i32
      %dma_start3A_46 = tpu.memref_slice %arg11[%dma_start3A_44, %dma_start3A_45] : memref<10240x128xf32, #tpu.memory_space<vmem_shared>> -> memref<10240x128xf32, #tpu.memory_space<vmem_shared>>
      tpu.enqueue_indirect_dma source(%arg9 : memref<100x128xf32, #tpu.memory_space<vmem>>) target(%dma_start3A_46 : memref<10240x128xf32, #tpu.memory_space<vmem_shared>>) offsets(%dma_start3A_43 : memref<100xi32, #tpu.memory_space<vmem>>) semaphore(%run_scoped3A_40 : memref<!tpu.dma_semaphore, #tpu.memory_space<semaphore_mem>>) {add = true}
      %dma_wait3A_47 = arith.constant 0 : i32
      %dma_wait3A_48 = tpu.memref_slice %arg8[%run_scoped3A, %dma_wait3A_47] : memref<100x100xi32, #tpu.memory_space<vmem>> -> memref<1x100xi32, #tpu.memory_space<vmem>>
      %dma_wait3A_49 = tpu.memref_squeeze %dma_wait3A_48 : memref<1x100xi32, #tpu.memory_space<vmem>> -> memref<100xi32, #tpu.memory_space<vmem>>
      %dma_wait3A_50 = arith.constant 0 : i32
      %dma_wait3A_51 = arith.constant 0 : i32
      %dma_wait3A_52 = tpu.memref_slice %arg11[%dma_wait3A_50, %dma_wait3A_51] : memref<10240x128xf32, #tpu.memory_space<vmem_shared>> -> memref<10240x128xf32, #tpu.memory_space<vmem_shared>>
      tpu.wait_indirect_dma semaphore(%run_scoped3A_40 : memref<!tpu.dma_semaphore, #tpu.memory_space<semaphore_mem>>) src(%arg9 : memref<100x128xf32, #tpu.memory_space<vmem>>) dst(%dma_wait3A_52 : memref<10240x128xf32, #tpu.memory_space<vmem_shared>>)
      tpu.yield
    }) : () -> ()
    %dma_wait3A_27 = arith.constant 99 : i32
    %dma_wait3A_28 = arith.constant 0 : i32
    %dma_wait3A_29 = tpu.memref_slice %arg7[%dma_wait3A_27, %dma_wait3A_28] : memref<100x100xi32, #tpu.memory_space<vmem>> -> memref<1x100xi32, #tpu.memory_space<vmem>>
    %dma_wait3A_30 = tpu.memref_squeeze %dma_wait3A_29 : memref<1x100xi32, #tpu.memory_space<vmem>> -> memref<100xi32, #tpu.memory_space<vmem>>
    %dma_wait3A_31 = arith.constant 0 : i32
    %dma_wait3A_32 = arith.constant 0 : i32
    %dma_wait3A_33 = tpu.memref_slice %arg2[%dma_wait3A_31, %dma_wait3A_32] : memref<10000x128xf32, #tpu.memory_space<hbm>> -> memref<10000x128xf32, #tpu.memory_space<hbm>>
    tpu.wait_indirect_dma semaphore(%arg13 : memref<!tpu.dma_semaphore, #tpu.memory_space<semaphore_mem>>) src(%dma_wait3A_33 : memref<10000x128xf32, #tpu.memory_space<hbm>>) dst(%arg10 : memref<100x128xf32, #tpu.memory_space<vmem>>)
    %run_scoped3A_34 = arith.constant 99 : i32
    "tpu.region"() ({
      %run_scoped3A_40 = tpu.sem_alloc : memref<!tpu.dma_semaphore, #tpu.memory_space<semaphore_mem>>
      %dma_start3A_41 = arith.constant 0 : i32
      %dma_start3A_42 = tpu.memref_slice %arg8[%run_scoped3A_34, %dma_start3A_41] : memref<100x100xi32, #tpu.memory_space<vmem>> -> memref<1x100xi32, #tpu.memory_space<vmem>>
      %dma_start3A_43 = tpu.memref_squeeze %dma_start3A_42 : memref<1x100xi32, #tpu.memory_space<vmem>> -> memref<100xi32, #tpu.memory_space<vmem>>
      %dma_start3A_44 = arith.constant 0 : i32
      %dma_start3A_45 = arith.constant 0 : i32
      %dma_start3A_46 = tpu.memref_slice %arg11[%dma_start3A_44, %dma_start3A_45] : memref<10240x128xf32, #tpu.memory_space<vmem_shared>> -> memref<10240x128xf32, #tpu.memory_space<vmem_shared>>
      tpu.enqueue_indirect_dma source(%arg10 : memref<100x128xf32, #tpu.memory_space<vmem>>) target(%dma_start3A_46 : memref<10240x128xf32, #tpu.memory_space<vmem_shared>>) offsets(%dma_start3A_43 : memref<100xi32, #tpu.memory_space<vmem>>) semaphore(%run_scoped3A_40 : memref<!tpu.dma_semaphore, #tpu.memory_space<semaphore_mem>>) {add = true}
      %dma_wait3A_47 = arith.constant 0 : i32
      %dma_wait3A_48 = tpu.memref_slice %arg8[%run_scoped3A_34, %dma_wait3A_47] : memref<100x100xi32, #tpu.memory_space<vmem>> -> memref<1x100xi32, #tpu.memory_space<vmem>>
      %dma_wait3A_49 = tpu.memref_squeeze %dma_wait3A_48 : memref<1x100xi32, #tpu.memory_space<vmem>> -> memref<100xi32, #tpu.memory_space<vmem>>
      %dma_wait3A_50 = arith.constant 0 : i32
      %dma_wait3A_51 = arith.constant 0 : i32
      %dma_wait3A_52 = tpu.memref_slice %arg11[%dma_wait3A_50, %dma_wait3A_51] : memref<10240x128xf32, #tpu.memory_space<vmem_shared>> -> memref<10240x128xf32, #tpu.memory_space<vmem_shared>>
      tpu.wait_indirect_dma semaphore(%run_scoped3A_40 : memref<!tpu.dma_semaphore, #tpu.memory_space<semaphore_mem>>) src(%arg10 : memref<100x128xf32, #tpu.memory_space<vmem>>) dst(%dma_wait3A_52 : memref<10240x128xf32, #tpu.memory_space<vmem_shared>>)
      tpu.yield
    }) : () -> ()
    %barrier3A_35 = arith.constant 0 : index
    tpu.barrier barrier_id(%barrier3A_35)
    %mul3A_36 = arith.constant 640 : i32
    %mul3A_37 = arith.muli %arg1, %mul3A_36 : i32
    %mul3A_38 = arith.constant 640 : i32
    %mul3A_39 = arith.muli %arg1, %mul3A_38 : i32
    "tpu.region"() ({
      %run_scoped3A_40 = tpu.sem_alloc : memref<!tpu.dma_semaphore, #tpu.memory_space<semaphore_mem>>
      %dma_start3A_41 = arith.constant 0 : i32
      %dma_start3A_42 = tpu.memref_slice %arg6[%arg0, %mul3A_39, %dma_start3A_41] : memref<2x10240x128xf32, #tpu.memory_space<hbm>> -> memref<1x640x128xf32, #tpu.memory_space<hbm>>
      %dma_start3A_43 = tpu.memref_squeeze %dma_start3A_42 : memref<1x640x128xf32, #tpu.memory_space<hbm>> -> memref<640x128xf32, #tpu.memory_space<hbm>>
      %dma_start3A_44 = arith.constant 0 : i32
      %dma_start3A_45 = tpu.memref_slice %arg11[%mul3A_37, %dma_start3A_44] : memref<10240x128xf32, #tpu.memory_space<vmem_shared>> -> memref<640x128xf32, #tpu.memory_space<vmem_shared>>
      tpu.enqueue_dma source(%dma_start3A_45 : memref<640x128xf32, #tpu.memory_space<vmem_shared>>) target(%dma_start3A_43 : memref<640x128xf32, #tpu.memory_space<hbm>>) target_semaphore(%run_scoped3A_40 : memref<!tpu.dma_semaphore, #tpu.memory_space<semaphore_mem>>)
      %dma_wait3A_46 = arith.constant 0 : i32
      %dma_wait3A_47 = tpu.memref_slice %arg6[%arg0, %mul3A_39, %dma_wait3A_46] : memref<2x10240x128xf32, #tpu.memory_space<hbm>> -> memref<1x640x128xf32, #tpu.memory_space<hbm>>
      %dma_wait3A_48 = tpu.memref_squeeze %dma_wait3A_47 : memref<1x640x128xf32, #tpu.memory_space<hbm>> -> memref<640x128xf32, #tpu.memory_space<hbm>>
      %dma_wait3A_49 = arith.constant 0 : i32
      %dma_wait3A_50 = tpu.memref_slice %arg11[%mul3A_37, %dma_wait3A_49] : memref<10240x128xf32, #tpu.memory_space<vmem_shared>> -> memref<640x128xf32, #tpu.memory_space<vmem_shared>>
      tpu.wait_dma2 semaphore(%run_scoped3A_40 : memref<!tpu.dma_semaphore, #tpu.memory_space<semaphore_mem>>) src(%dma_wait3A_50 : memref<640x128xf32, #tpu.memory_space<vmem_shared>>) dst(%dma_wait3A_48 : memref<640x128xf32, #tpu.memory_space<hbm>>)
      tpu.yield
    }) : () -> ()
    return
  }
}

#map = affine_map<(d0, d1) -> (0, 0)>
#map1 = affine_map<(d0, d1) -> (0, 0, 0)>
module attributes {stable_mosaic.version = 14 : i64} {
  func.func @body(%arg0: i32, %arg1: i32, %arg2: memref<10000x128xf32, #tpu.memory_space<hbm>>, %arg3: memref<32x100x100xi32, #tpu.memory_space<hbm>>, %arg4: memref<32x100x100xi32, #tpu.memory_space<hbm>>, %arg5: memref<640x128xf32, #tpu.memory_space<hbm>>, %arg6: memref<2x10240x128xf32, #tpu.memory_space<hbm>>, %arg7: memref<100x100xi32, #tpu.memory_space<vmem>>, %arg8: memref<100x100xi32, #tpu.memory_space<vmem>>, %arg9: memref<100x128xf32, #tpu.memory_space<vmem>>, %arg10: memref<100x128xf32, #tpu.memory_space<vmem>>, %arg11: memref<10240x128xf32, #tpu.memory_space<vmem_shared>>, %arg12: memref<!tpu.dma_semaphore, #tpu.memory_space<semaphore_mem>>, %arg13: memref<!tpu.dma_semaphore, #tpu.memory_space<semaphore_mem>>) attributes {dimension_semantics = [#tpu.dimension_semantics<core_parallel>, #tpu.dimension_semantics<subcore_parallel>], iteration_bounds = array<i64: 2, 16>, scalar_prefetch = 0 : i64, scratch_operands = 7 : i64, tpu.core_type = #tpu.core_type<sc_vector_subcore>, window_params = [{transform_indices = #map}, {transform_indices = #map1}, {transform_indices = #map1}, {transform_indices = #map}, {transform_indices = #map1}]} {
    %mul3A = arith.constant 2 : i32
    %mul3A_0 = arith.muli %arg1, %mul3A : i32
    %add3A = arith.addi %mul3A_0, %arg0 : i32
    "tpu.region"() ({
      %run_scoped3A_40 = tpu.sem_alloc : memref<!tpu.dma_semaphore, #tpu.memory_space<semaphore_mem>>
      %dma_start3A_41 = arith.constant 0 : i32
      %dma_start3A_42 = arith.constant 0 : i32
      %dma_start3A_43 = tpu.memref_slice %arg3[%add3A, %dma_start3A_41, %dma_start3A_42] : memref<32x100x100xi32, #tpu.memory_space<hbm>> -> memref<1x100x100xi32, #tpu.memory_space<hbm>>
      %dma_start3A_44 = tpu.memref_squeeze %dma_start3A_43 : memref<1x100x100xi32, #tpu.memory_space<hbm>> -> memref<100x100xi32, #tpu.memory_space<hbm>>
      %dma_start3A_45 = arith.constant 0 : i32
      %dma_start3A_46 = arith.constant 0 : i32
      %dma_start3A_47 = tpu.memref_slice %arg3[%add3A, %dma_start3A_45, %dma_start3A_46] : memref<32x100x100xi32, #tpu.memory_space<hbm>> -> memref<1x100x100xi32, #tpu.memory_space<hbm>>
      %dma_start3A_48 = tpu.memref_squeeze %dma_start3A_47 : memref<1x100x100xi32, #tpu.memory_space<hbm>> -> memref<100x100xi32, #tpu.memory_space<hbm>>
      tpu.enqueue_dma source(%dma_start3A_48 : memref<100x100xi32, #tpu.memory_space<hbm>>) target(%arg7 : memref<100x100xi32, #tpu.memory_space<vmem>>) target_semaphore(%run_scoped3A_40 : memref<!tpu.dma_semaphore, #tpu.memory_space<semaphore_mem>>)
      %dma_wait3A_49 = arith.constant 0 : i32
      %dma_wait3A_50 = arith.constant 0 : i32
      %dma_wait3A_51 = tpu.memref_slice %arg3[%add3A, %dma_wait3A_49, %dma_wait3A_50] : memref<32x100x100xi32, #tpu.memory_space<hbm>> -> memref<1x100x100xi32, #tpu.memory_space<hbm>>
      %dma_wait3A_52 = tpu.memref_squeeze %dma_wait3A_51 : memref<1x100x100xi32, #tpu.memory_space<hbm>> -> memref<100x100xi32, #tpu.memory_space<hbm>>
      %dma_wait3A_53 = arith.constant 0 : i32
      %dma_wait3A_54 = arith.constant 0 : i32
      %dma_wait3A_55 = tpu.memref_slice %arg3[%add3A, %dma_wait3A_53, %dma_wait3A_54] : memref<32x100x100xi32, #tpu.memory_space<hbm>> -> memref<1x100x100xi32, #tpu.memory_space<hbm>>
      %dma_wait3A_56 = tpu.memref_squeeze %dma_wait3A_55 : memref<1x100x100xi32, #tpu.memory_space<hbm>> -> memref<100x100xi32, #tpu.memory_space<hbm>>
      tpu.wait_dma2 semaphore(%run_scoped3A_40 : memref<!tpu.dma_semaphore, #tpu.memory_space<semaphore_mem>>) src(%dma_wait3A_56 : memref<100x100xi32, #tpu.memory_space<hbm>>) dst(%arg7 : memref<100x100xi32, #tpu.memory_space<vmem>>)
      tpu.yield
    }) : () -> ()
    "tpu.region"() ({
      %run_scoped3A_40 = tpu.sem_alloc : memref<!tpu.dma_semaphore, #tpu.memory_space<semaphore_mem>>
      %dma_start3A_41 = arith.constant 0 : i32
      %dma_start3A_42 = arith.constant 0 : i32
      %dma_start3A_43 = tpu.memref_slice %arg4[%add3A, %dma_start3A_41, %dma_start3A_42] : memref<32x100x100xi32, #tpu.memory_space<hbm>> -> memref<1x100x100xi32, #tpu.memory_space<hbm>>
      %dma_start3A_44 = tpu.memref_squeeze %dma_start3A_43 : memref<1x100x100xi32, #tpu.memory_space<hbm>> -> memref<100x100xi32, #tpu.memory_space<hbm>>
      %dma_start3A_45 = arith.constant 0 : i32
      %dma_start3A_46 = arith.constant 0 : i32
      %dma_start3A_47 = tpu.memref_slice %arg4[%add3A, %dma_start3A_45, %dma_start3A_46] : memref<32x100x100xi32, #tpu.memory_space<hbm>> -> memref<1x100x100xi32, #tpu.memory_space<hbm>>
      %dma_start3A_48 = tpu.memref_squeeze %dma_start3A_47 : memref<1x100x100xi32, #tpu.memory_space<hbm>> -> memref<100x100xi32, #tpu.memory_space<hbm>>
      tpu.enqueue_dma source(%dma_start3A_48 : memref<100x100xi32, #tpu.memory_space<hbm>>) target(%arg8 : memref<100x100xi32, #tpu.memory_space<vmem>>) target_semaphore(%run_scoped3A_40 : memref<!tpu.dma_semaphore, #tpu.memory_space<semaphore_mem>>)
      %dma_wait3A_49 = arith.constant 0 : i32
      %dma_wait3A_50 = arith.constant 0 : i32
      %dma_wait3A_51 = tpu.memref_slice %arg4[%add3A, %dma_wait3A_49, %dma_wait3A_50] : memref<32x100x100xi32, #tpu.memory_space<hbm>> -> memref<1x100x100xi32, #tpu.memory_space<hbm>>
      %dma_wait3A_52 = tpu.memref_squeeze %dma_wait3A_51 : memref<1x100x100xi32, #tpu.memory_space<hbm>> -> memref<100x100xi32, #tpu.memory_space<hbm>>
      %dma_wait3A_53 = arith.constant 0 : i32
      %dma_wait3A_54 = arith.constant 0 : i32
      %dma_wait3A_55 = tpu.memref_slice %arg4[%add3A, %dma_wait3A_53, %dma_wait3A_54] : memref<32x100x100xi32, #tpu.memory_space<hbm>> -> memref<1x100x100xi32, #tpu.memory_space<hbm>>
      %dma_wait3A_56 = tpu.memref_squeeze %dma_wait3A_55 : memref<1x100x100xi32, #tpu.memory_space<hbm>> -> memref<100x100xi32, #tpu.memory_space<hbm>>
      tpu.wait_dma2 semaphore(%run_scoped3A_40 : memref<!tpu.dma_semaphore, #tpu.memory_space<semaphore_mem>>) src(%dma_wait3A_56 : memref<100x100xi32, #tpu.memory_space<hbm>>) dst(%arg8 : memref<100x100xi32, #tpu.memory_space<vmem>>)
      tpu.yield
    }) : () -> ()
    %dma_start3A = arith.constant 0 : i32
    %dma_start3A_1 = arith.constant 0 : i32
    %dma_start3A_2 = tpu.memref_slice %arg7[%dma_start3A, %dma_start3A_1] : memref<100x100xi32, #tpu.memory_space<vmem>> -> memref<1x100xi32, #tpu.memory_space<vmem>>
    %dma_start3A_3 = tpu.memref_squeeze %dma_start3A_2 : memref<1x100xi32, #tpu.memory_space<vmem>> -> memref<100xi32, #tpu.memory_space<vmem>>
    %dma_start3A_4 = arith.constant 0 : i32
    %dma_start3A_5 = arith.constant 0 : i32
    %dma_start3A_6 = tpu.memref_slice %arg2[%dma_start3A_4, %dma_start3A_5] : memref<10000x128xf32, #tpu.memory_space<hbm>> -> memref<10000x128xf32, #tpu.memory_space<hbm>>
    tpu.enqueue_indirect_dma source(%dma_start3A_6 : memref<10000x128xf32, #tpu.memory_space<hbm>>) target(%arg9 : memref<100x128xf32, #tpu.memory_space<vmem>>) offsets(%dma_start3A_3 : memref<100xi32, #tpu.memory_space<vmem>>) semaphore(%arg12 : memref<!tpu.dma_semaphore, #tpu.memory_space<semaphore_mem>>)
    %dma_start3A_7 = arith.constant 1 : i32
    %dma_start3A_8 = arith.constant 0 : i32
    %dma_start3A_9 = tpu.memref_slice %arg7[%dma_start3A_7, %dma_start3A_8] : memref<100x100xi32, #tpu.memory_space<vmem>> -> memref<1x100xi32, #tpu.memory_space<vmem>>
    %dma_start3A_10 = tpu.memref_squeeze %dma_start3A_9 : memref<1x100xi32, #tpu.memory_space<vmem>> -> memref<100xi32, #tpu.memory_space<vmem>>
    %dma_start3A_11 = arith.constant 0 : i32
    %dma_start3A_12 = arith.constant 0 : i32
    %dma_start3A_13 = tpu.memref_slice %arg2[%dma_start3A_11, %dma_start3A_12] : memref<10000x128xf32, #tpu.memory_space<hbm>> -> memref<10000x128xf32, #tpu.memory_space<hbm>>
    tpu.enqueue_indirect_dma source(%dma_start3A_13 : memref<10000x128xf32, #tpu.memory_space<hbm>>) target(%arg10 : memref<100x128xf32, #tpu.memory_space<vmem>>) offsets(%dma_start3A_10 : memref<100xi32, #tpu.memory_space<vmem>>) semaphore(%arg13 : memref<!tpu.dma_semaphore, #tpu.memory_space<semaphore_mem>>)
    %mul3A_14 = arith.constant 640 : i32
    %mul3A_15 = arith.muli %arg1, %mul3A_14 : i32
    "tpu.region"() ({
      %run_scoped3A_40 = tpu.sem_alloc : memref<!tpu.dma_semaphore, #tpu.memory_space<semaphore_mem>>
      %dma_start3A_41 = arith.constant 0 : i32
      %dma_start3A_42 = tpu.memref_slice %arg11[%mul3A_15, %dma_start3A_41] : memref<10240x128xf32, #tpu.memory_space<vmem_shared>> -> memref<640x128xf32, #tpu.memory_space<vmem_shared>>
      tpu.enqueue_dma source(%arg5 : memref<640x128xf32, #tpu.memory_space<hbm>>) target(%dma_start3A_42 : memref<640x128xf32, #tpu.memory_space<vmem_shared>>) target_semaphore(%run_scoped3A_40 : memref<!tpu.dma_semaphore, #tpu.memory_space<semaphore_mem>>)
      %dma_wait3A_43 = arith.constant 0 : i32
      %dma_wait3A_44 = tpu.memref_slice %arg11[%mul3A_15, %dma_wait3A_43] : memref<10240x128xf32, #tpu.memory_space<vmem_shared>> -> memref<640x128xf32, #tpu.memory_space<vmem_shared>>
      tpu.wait_dma2 semaphore(%run_scoped3A_40 : memref<!tpu.dma_semaphore, #tpu.memory_space<semaphore_mem>>) src(%arg5 : memref<640x128xf32, #tpu.memory_space<hbm>>) dst(%dma_wait3A_44 : memref<640x128xf32, #tpu.memory_space<vmem_shared>>)
      tpu.yield
    }) : () -> ()
    %barrier3A = arith.constant 0 : index
    tpu.barrier barrier_id(%barrier3A)
    %scan3A = arith.constant 0 : i32
    %scan3A_16 = arith.constant 0 : i32
    %scan3A_17 = arith.constant 49 : i32
    %scan3A_18 = arith.addi %scan3A_16, %scan3A_17 : i32
    %scan3A_19 = arith.constant 1 : i32
    scf.for %scan3A_40 = %scan3A_16 to %scan3A_18 step %scan3A_19  : i32 {
      %mul3A_41 = arith.constant 2 : i32
      %mul3A_42 = arith.muli %mul3A_41, %scan3A_40 : i32
      %dma_wait3A_43 = arith.constant 0 : i32
      %dma_wait3A_44 = tpu.memref_slice %arg7[%mul3A_42, %dma_wait3A_43] : memref<100x100xi32, #tpu.memory_space<vmem>> -> memref<1x100xi32, #tpu.memory_space<vmem>>
      %dma_wait3A_45 = tpu.memref_squeeze %dma_wait3A_44 : memref<1x100xi32, #tpu.memory_space<vmem>> -> memref<100xi32, #tpu.memory_space<vmem>>
      %dma_wait3A_46 = arith.constant 0 : i32
      %dma_wait3A_47 = arith.constant 0 : i32
      %dma_wait3A_48 = tpu.memref_slice %arg2[%dma_wait3A_46, %dma_wait3A_47] : memref<10000x128xf32, #tpu.memory_space<hbm>> -> memref<10000x128xf32, #tpu.memory_space<hbm>>
      tpu.wait_indirect_dma semaphore(%arg12 : memref<!tpu.dma_semaphore, #tpu.memory_space<semaphore_mem>>) src(%dma_wait3A_48 : memref<10000x128xf32, #tpu.memory_space<hbm>>) dst(%arg9 : memref<100x128xf32, #tpu.memory_space<vmem>>)
      "tpu.region"() ({
        %run_scoped3A_75 = tpu.sem_alloc : memref<!tpu.dma_semaphore, #tpu.memory_space<semaphore_mem>>
        %dma_start3A_76 = arith.constant 0 : i32
        %dma_start3A_77 = tpu.memref_slice %arg8[%mul3A_42, %dma_start3A_76] : memref<100x100xi32, #tpu.memory_space<vmem>> -> memref<1x100xi32, #tpu.memory_space<vmem>>
        %dma_start3A_78 = tpu.memref_squeeze %dma_start3A_77 : memref<1x100xi32, #tpu.memory_space<vmem>> -> memref<100xi32, #tpu.memory_space<vmem>>
        %dma_start3A_79 = arith.constant 0 : i32
        %dma_start3A_80 = arith.constant 0 : i32
        %dma_start3A_81 = tpu.memref_slice %arg11[%dma_start3A_79, %dma_start3A_80] : memref<10240x128xf32, #tpu.memory_space<vmem_shared>> -> memref<10240x128xf32, #tpu.memory_space<vmem_shared>>
        tpu.enqueue_indirect_dma source(%arg9 : memref<100x128xf32, #tpu.memory_space<vmem>>) target(%dma_start3A_81 : memref<10240x128xf32, #tpu.memory_space<vmem_shared>>) offsets(%dma_start3A_78 : memref<100xi32, #tpu.memory_space<vmem>>) semaphore(%run_scoped3A_75 : memref<!tpu.dma_semaphore, #tpu.memory_space<semaphore_mem>>) {add = true}
        %dma_wait3A_82 = arith.constant 0 : i32
        %dma_wait3A_83 = tpu.memref_slice %arg8[%mul3A_42, %dma_wait3A_82] : memref<100x100xi32, #tpu.memory_space<vmem>> -> memref<1x100xi32, #tpu.memory_space<vmem>>
        %dma_wait3A_84 = tpu.memref_squeeze %dma_wait3A_83 : memref<1x100xi32, #tpu.memory_space<vmem>> -> memref<100xi32, #tpu.memory_space<vmem>>
        %dma_wait3A_85 = arith.constant 0 : i32
        %dma_wait3A_86 = arith.constant 0 : i32
        %dma_wait3A_87 = tpu.memref_slice %arg11[%dma_wait3A_85, %dma_wait3A_86] : memref<10240x128xf32, #tpu.memory_space<vmem_shared>> -> memref<10240x128xf32, #tpu.memory_space<vmem_shared>>
        tpu.wait_indirect_dma semaphore(%run_scoped3A_75 : memref<!tpu.dma_semaphore, #tpu.memory_space<semaphore_mem>>) src(%arg9 : memref<100x128xf32, #tpu.memory_space<vmem>>) dst(%dma_wait3A_87 : memref<10240x128xf32, #tpu.memory_space<vmem_shared>>)
        tpu.yield
      }) : () -> ()
      %add3A_49 = arith.constant 2 : i32
      %add3A_50 = arith.addi %mul3A_42, %add3A_49 : i32
      %dma_start3A_51 = arith.constant 0 : i32
      %dma_start3A_52 = tpu.memref_slice %arg7[%add3A_50, %dma_start3A_51] : memref<100x100xi32, #tpu.memory_space<vmem>> -> memref<1x100xi32, #tpu.memory_space<vmem>>
      %dma_start3A_53 = tpu.memref_squeeze %dma_start3A_52 : memref<1x100xi32, #tpu.memory_space<vmem>> -> memref<100xi32, #tpu.memory_space<vmem>>
      %dma_start3A_54 = arith.constant 0 : i32
      %dma_start3A_55 = arith.constant 0 : i32
      %dma_start3A_56 = tpu.memref_slice %arg2[%dma_start3A_54, %dma_start3A_55] : memref<10000x128xf32, #tpu.memory_space<hbm>> -> memref<10000x128xf32, #tpu.memory_space<hbm>>
      tpu.enqueue_indirect_dma source(%dma_start3A_56 : memref<10000x128xf32, #tpu.memory_space<hbm>>) target(%arg9 : memref<100x128xf32, #tpu.memory_space<vmem>>) offsets(%dma_start3A_53 : memref<100xi32, #tpu.memory_space<vmem>>) semaphore(%arg12 : memref<!tpu.dma_semaphore, #tpu.memory_space<semaphore_mem>>)
      %add3A_57 = arith.constant 1 : i32
      %add3A_58 = arith.addi %mul3A_42, %add3A_57 : i32
      %dma_wait3A_59 = arith.constant 0 : i32
      %dma_wait3A_60 = tpu.memref_slice %arg7[%add3A_58, %dma_wait3A_59] : memref<100x100xi32, #tpu.memory_space<vmem>> -> memref<1x100xi32, #tpu.memory_space<vmem>>
      %dma_wait3A_61 = tpu.memref_squeeze %dma_wait3A_60 : memref<1x100xi32, #tpu.memory_space<vmem>> -> memref<100xi32, #tpu.memory_space<vmem>>
      %dma_wait3A_62 = arith.constant 0 : i32
      %dma_wait3A_63 = arith.constant 0 : i32
      %dma_wait3A_64 = tpu.memref_slice %arg2[%dma_wait3A_62, %dma_wait3A_63] : memref<10000x128xf32, #tpu.memory_space<hbm>> -> memref<10000x128xf32, #tpu.memory_space<hbm>>
      tpu.wait_indirect_dma semaphore(%arg13 : memref<!tpu.dma_semaphore, #tpu.memory_space<semaphore_mem>>) src(%dma_wait3A_64 : memref<10000x128xf32, #tpu.memory_space<hbm>>) dst(%arg10 : memref<100x128xf32, #tpu.memory_space<vmem>>)
      %add3A_65 = arith.constant 1 : i32
      %add3A_66 = arith.addi %mul3A_42, %add3A_65 : i32
      "tpu.region"() ({
        %run_scoped3A_75 = tpu.sem_alloc : memref<!tpu.dma_semaphore, #tpu.memory_space<semaphore_mem>>
        %dma_start3A_76 = arith.constant 0 : i32
        %dma_start3A_77 = tpu.memref_slice %arg8[%add3A_66, %dma_start3A_76] : memref<100x100xi32, #tpu.memory_space<vmem>> -> memref<1x100xi32, #tpu.memory_space<vmem>>
        %dma_start3A_78 = tpu.memref_squeeze %dma_start3A_77 : memref<1x100xi32, #tpu.memory_space<vmem>> -> memref<100xi32, #tpu.memory_space<vmem>>
        %dma_start3A_79 = arith.constant 0 : i32
        %dma_start3A_80 = arith.constant 0 : i32
        %dma_start3A_81 = tpu.memref_slice %arg11[%dma_start3A_79, %dma_start3A_80] : memref<10240x128xf32, #tpu.memory_space<vmem_shared>> -> memref<10240x128xf32, #tpu.memory_space<vmem_shared>>
        tpu.enqueue_indirect_dma source(%arg10 : memref<100x128xf32, #tpu.memory_space<vmem>>) target(%dma_start3A_81 : memref<10240x128xf32, #tpu.memory_space<vmem_shared>>) offsets(%dma_start3A_78 : memref<100xi32, #tpu.memory_space<vmem>>) semaphore(%run_scoped3A_75 : memref<!tpu.dma_semaphore, #tpu.memory_space<semaphore_mem>>) {add = true}
        %dma_wait3A_82 = arith.constant 0 : i32
        %dma_wait3A_83 = tpu.memref_slice %arg8[%add3A_66, %dma_wait3A_82] : memref<100x100xi32, #tpu.memory_space<vmem>> -> memref<1x100xi32, #tpu.memory_space<vmem>>
        %dma_wait3A_84 = tpu.memref_squeeze %dma_wait3A_83 : memref<1x100xi32, #tpu.memory_space<vmem>> -> memref<100xi32, #tpu.memory_space<vmem>>
        %dma_wait3A_85 = arith.constant 0 : i32
        %dma_wait3A_86 = arith.constant 0 : i32
        %dma_wait3A_87 = tpu.memref_slice %arg11[%dma_wait3A_85, %dma_wait3A_86] : memref<10240x128xf32, #tpu.memory_space<vmem_shared>> -> memref<10240x128xf32, #tpu.memory_space<vmem_shared>>
        tpu.wait_indirect_dma semaphore(%run_scoped3A_75 : memref<!tpu.dma_semaphore, #tpu.memory_space<semaphore_mem>>) src(%arg10 : memref<100x128xf32, #tpu.memory_space<vmem>>) dst(%dma_wait3A_87 : memref<10240x128xf32, #tpu.memory_space<vmem_shared>>)
        tpu.yield
      }) : () -> ()
      %add3A_67 = arith.constant 3 : i32
      %add3A_68 = arith.addi %mul3A_42, %add3A_67 : i32
      %dma_start3A_69 = arith.constant 0 : i32
      %dma_start3A_70 = tpu.memref_slice %arg7[%add3A_68, %dma_start3A_69] : memref<100x100xi32, #tpu.memory_space<vmem>> -> memref<1x100xi32, #tpu.memory_space<vmem>>
      %dma_start3A_71 = tpu.memref_squeeze %dma_start3A_70 : memref<1x100xi32, #tpu.memory_space<vmem>> -> memref<100xi32, #tpu.memory_space<vmem>>
      %dma_start3A_72 = arith.constant 0 : i32
      %dma_start3A_73 = arith.constant 0 : i32
      %dma_start3A_74 = tpu.memref_slice %arg2[%dma_start3A_72, %dma_start3A_73] : memref<10000x128xf32, #tpu.memory_space<hbm>> -> memref<10000x128xf32, #tpu.memory_space<hbm>>
      tpu.enqueue_indirect_dma source(%dma_start3A_74 : memref<10000x128xf32, #tpu.memory_space<hbm>>) target(%arg10 : memref<100x128xf32, #tpu.memory_space<vmem>>) offsets(%dma_start3A_71 : memref<100xi32, #tpu.memory_space<vmem>>) semaphore(%arg13 : memref<!tpu.dma_semaphore, #tpu.memory_space<semaphore_mem>>)
    }
    %scan3A_20 = arith.constant 49 : i32
    %dma_wait3A = arith.constant 98 : i32
    %dma_wait3A_21 = arith.constant 0 : i32
    %dma_wait3A_22 = tpu.memref_slice %arg7[%dma_wait3A, %dma_wait3A_21] : memref<100x100xi32, #tpu.memory_space<vmem>> -> memref<1x100xi32, #tpu.memory_space<vmem>>
    %dma_wait3A_23 = tpu.memref_squeeze %dma_wait3A_22 : memref<1x100xi32, #tpu.memory_space<vmem>> -> memref<100xi32, #tpu.memory_space<vmem>>
    %dma_wait3A_24 = arith.constant 0 : i32
    %dma_wait3A_25 = arith.constant 0 : i32
    %dma_wait3A_26 = tpu.memref_slice %arg2[%dma_wait3A_24, %dma_wait3A_25] : memref<10000x128xf32, #tpu.memory_space<hbm>> -> memref<10000x128xf32, #tpu.memory_space<hbm>>
    tpu.wait_indirect_dma semaphore(%arg12 : memref<!tpu.dma_semaphore, #tpu.memory_space<semaphore_mem>>) src(%dma_wait3A_26 : memref<10000x128xf32, #tpu.memory_space<hbm>>) dst(%arg9 : memref<100x128xf32, #tpu.memory_space<vmem>>)
    %run_scoped3A = arith.constant 98 : i32
    "tpu.region"() ({
      %run_scoped3A_40 = tpu.sem_alloc : memref<!tpu.dma_semaphore, #tpu.memory_space<semaphore_mem>>
      %dma_start3A_41 = arith.constant 0 : i32
      %dma_start3A_42 = tpu.memref_slice %arg8[%run_scoped3A, %dma_start3A_41] : memref<100x100xi32, #tpu.memory_space<vmem>> -> memref<1x100xi32, #tpu.memory_space<vmem>>
      %dma_start3A_43 = tpu.memref_squeeze %dma_start3A_42 : memref<1x100xi32, #tpu.memory_space<vmem>> -> memref<100xi32, #tpu.memory_space<vmem>>
      %dma_start3A_44 = arith.constant 0 : i32
      %dma_start3A_45 = arith.constant 0 : i32
      %dma_start3A_46 = tpu.memref_slice %arg11[%dma_start3A_44, %dma_start3A_45] : memref<10240x128xf32, #tpu.memory_space<vmem_shared>> -> memref<10240x128xf32, #tpu.memory_space<vmem_shared>>
      tpu.enqueue_indirect_dma source(%arg9 : memref<100x128xf32, #tpu.memory_space<vmem>>) target(%dma_start3A_46 : memref<10240x128xf32, #tpu.memory_space<vmem_shared>>) offsets(%dma_start3A_43 : memref<100xi32, #tpu.memory_space<vmem>>) semaphore(%run_scoped3A_40 : memref<!tpu.dma_semaphore, #tpu.memory_space<semaphore_mem>>) {add = true}
      %dma_wait3A_47 = arith.constant 0 : i32
      %dma_wait3A_48 = tpu.memref_slice %arg8[%run_scoped3A, %dma_wait3A_47] : memref<100x100xi32, #tpu.memory_space<vmem>> -> memref<1x100xi32, #tpu.memory_space<vmem>>
      %dma_wait3A_49 = tpu.memref_squeeze %dma_wait3A_48 : memref<1x100xi32, #tpu.memory_space<vmem>> -> memref<100xi32, #tpu.memory_space<vmem>>
      %dma_wait3A_50 = arith.constant 0 : i32
      %dma_wait3A_51 = arith.constant 0 : i32
      %dma_wait3A_52 = tpu.memref_slice %arg11[%dma_wait3A_50, %dma_wait3A_51] : memref<10240x128xf32, #tpu.memory_space<vmem_shared>> -> memref<10240x128xf32, #tpu.memory_space<vmem_shared>>
      tpu.wait_indirect_dma semaphore(%run_scoped3A_40 : memref<!tpu.dma_semaphore, #tpu.memory_space<semaphore_mem>>) src(%arg9 : memref<100x128xf32, #tpu.memory_space<vmem>>) dst(%dma_wait3A_52 : memref<10240x128xf32, #tpu.memory_space<vmem_shared>>)
      tpu.yield
    }) : () -> ()
    %dma_wait3A_27 = arith.constant 99 : i32
    %dma_wait3A_28 = arith.constant 0 : i32
    %dma_wait3A_29 = tpu.memref_slice %arg7[%dma_wait3A_27, %dma_wait3A_28] : memref<100x100xi32, #tpu.memory_space<vmem>> -> memref<1x100xi32, #tpu.memory_space<vmem>>
    %dma_wait3A_30 = tpu.memref_squeeze %dma_wait3A_29 : memref<1x100xi32, #tpu.memory_space<vmem>> -> memref<100xi32, #tpu.memory_space<vmem>>
    %dma_wait3A_31 = arith.constant 0 : i32
    %dma_wait3A_32 = arith.constant 0 : i32
    %dma_wait3A_33 = tpu.memref_slice %arg2[%dma_wait3A_31, %dma_wait3A_32] : memref<10000x128xf32, #tpu.memory_space<hbm>> -> memref<10000x128xf32, #tpu.memory_space<hbm>>
    tpu.wait_indirect_dma semaphore(%arg13 : memref<!tpu.dma_semaphore, #tpu.memory_space<semaphore_mem>>) src(%dma_wait3A_33 : memref<10000x128xf32, #tpu.memory_space<hbm>>) dst(%arg10 : memref<100x128xf32, #tpu.memory_space<vmem>>)
    %run_scoped3A_34 = arith.constant 99 : i32
    "tpu.region"() ({
      %run_scoped3A_40 = tpu.sem_alloc : memref<!tpu.dma_semaphore, #tpu.memory_space<semaphore_mem>>
      %dma_start3A_41 = arith.constant 0 : i32
      %dma_start3A_42 = tpu.memref_slice %arg8[%run_scoped3A_34, %dma_start3A_41] : memref<100x100xi32, #tpu.memory_space<vmem>> -> memref<1x100xi32, #tpu.memory_space<vmem>>
      %dma_start3A_43 = tpu.memref_squeeze %dma_start3A_42 : memref<1x100xi32, #tpu.memory_space<vmem>> -> memref<100xi32, #tpu.memory_space<vmem>>
      %dma_start3A_44 = arith.constant 0 : i32
      %dma_start3A_45 = arith.constant 0 : i32
      %dma_start3A_46 = tpu.memref_slice %arg11[%dma_start3A_44, %dma_start3A_45] : memref<10240x128xf32, #tpu.memory_space<vmem_shared>> -> memref<10240x128xf32, #tpu.memory_space<vmem_shared>>
      tpu.enqueue_indirect_dma source(%arg10 : memref<100x128xf32, #tpu.memory_space<vmem>>) target(%dma_start3A_46 : memref<10240x128xf32, #tpu.memory_space<vmem_shared>>) offsets(%dma_start3A_43 : memref<100xi32, #tpu.memory_space<vmem>>) semaphore(%run_scoped3A_40 : memref<!tpu.dma_semaphore, #tpu.memory_space<semaphore_mem>>) {add = true}
      %dma_wait3A_47 = arith.constant 0 : i32
      %dma_wait3A_48 = tpu.memref_slice %arg8[%run_scoped3A_34, %dma_wait3A_47] : memref<100x100xi32, #tpu.memory_space<vmem>> -> memref<1x100xi32, #tpu.memory_space<vmem>>
      %dma_wait3A_49 = tpu.memref_squeeze %dma_wait3A_48 : memref<1x100xi32, #tpu.memory_space<vmem>> -> memref<100xi32, #tpu.memory_space<vmem>>
      %dma_wait3A_50 = arith.constant 0 : i32
      %dma_wait3A_51 = arith.constant 0 : i32
      %dma_wait3A_52 = tpu.memref_slice %arg11[%dma_wait3A_50, %dma_wait3A_51] : memref<10240x128xf32, #tpu.memory_space<vmem_shared>> -> memref<10240x128xf32, #tpu.memory_space<vmem_shared>>
      tpu.wait_indirect_dma semaphore(%run_scoped3A_40 : memref<!tpu.dma_semaphore, #tpu.memory_space<semaphore_mem>>) src(%arg10 : memref<100x128xf32, #tpu.memory_space<vmem>>) dst(%dma_wait3A_52 : memref<10240x128xf32, #tpu.memory_space<vmem_shared>>)
      tpu.yield
    }) : () -> ()
    %barrier3A_35 = arith.constant 0 : index
    tpu.barrier barrier_id(%barrier3A_35)
    %mul3A_36 = arith.constant 640 : i32
    %mul3A_37 = arith.muli %arg1, %mul3A_36 : i32
    %mul3A_38 = arith.constant 640 : i32
    %mul3A_39 = arith.muli %arg1, %mul3A_38 : i32
    "tpu.region"() ({
      %run_scoped3A_40 = tpu.sem_alloc : memref<!tpu.dma_semaphore, #tpu.memory_space<semaphore_mem>>
      %dma_start3A_41 = arith.constant 0 : i32
      %dma_start3A_42 = tpu.memref_slice %arg6[%arg0, %mul3A_39, %dma_start3A_41] : memref<2x10240x128xf32, #tpu.memory_space<hbm>> -> memref<1x640x128xf32, #tpu.memory_space<hbm>>
      %dma_start3A_43 = tpu.memref_squeeze %dma_start3A_42 : memref<1x640x128xf32, #tpu.memory_space<hbm>> -> memref<640x128xf32, #tpu.memory_space<hbm>>
      %dma_start3A_44 = arith.constant 0 : i32
      %dma_start3A_45 = tpu.memref_slice %arg11[%mul3A_37, %dma_start3A_44] : memref<10240x128xf32, #tpu.memory_space<vmem_shared>> -> memref<640x128xf32, #tpu.memory_space<vmem_shared>>
      tpu.enqueue_dma source(%dma_start3A_45 : memref<640x128xf32, #tpu.memory_space<vmem_shared>>) target(%dma_start3A_43 : memref<640x128xf32, #tpu.memory_space<hbm>>) target_semaphore(%run_scoped3A_40 : memref<!tpu.dma_semaphore, #tpu.memory_space<semaphore_mem>>)
      %dma_wait3A_46 = arith.constant 0 : i32
      %dma_wait3A_47 = tpu.memref_slice %arg6[%arg0, %mul3A_39, %dma_wait3A_46] : memref<2x10240x128xf32, #tpu.memory_space<hbm>> -> memref<1x640x128xf32, #tpu.memory_space<hbm>>
      %dma_wait3A_48 = tpu.memref_squeeze %dma_wait3A_47 : memref<1x640x128xf32, #tpu.memory_space<hbm>> -> memref<640x128xf32, #tpu.memory_space<hbm>>
      %dma_wait3A_49 = arith.constant 0 : i32
      %dma_wait3A_50 = tpu.memref_slice %arg11[%mul3A_37, %dma_wait3A_49] : memref<10240x128xf32, #tpu.memory_space<vmem_shared>> -> memref<640x128xf32, #tpu.memory_space<vmem_shared>>
      tpu.wait_dma2 semaphore(%run_scoped3A_40 : memref<!tpu.dma_semaphore, #tpu.memory_space<semaphore_mem>>) src(%dma_wait3A_50 : memref<640x128xf32, #tpu.memory_space<vmem_shared>>) dst(%dma_wait3A_48 : memref<640x128xf32, #tpu.memory_space<hbm>>)
      tpu.yield
    }) : () -> ()
    return
  }
}

module attributes {stable_mosaic.version = 14 : i64} {
  func.func @_tc_y1_body(%arg0: i32, %arg1: memref<1000x128xf32, #tpu.memory_space<vmem>>, %arg2: memref<128x128xf32, #tpu.memory_space<vmem>>, %arg3: memref<1000x128xf32, #tpu.memory_space<vmem>>) attributes {dimension_semantics = [#tpu.dimension_semantics<arbitrary>], iteration_bounds = array<i64: 10>, scalar_prefetch = 0 : i64, scratch_operands = 0 : i64, tpu.core_type = #tpu.core_type<tc>, window_params = [{transform_indices = @transform_0, window_bounds = array<i64: 1000, 128>}, {pipeline_mode = #tpu.pipeline_mode<synchronous>, transform_indices = @transform_1, window_bounds = array<i64: 128, 128>}, {transform_indices = @transform_2, window_bounds = array<i64: 1000, 128>}]} {
    %get3A = arith.constant 0 : index
    %get3A_0 = arith.constant 0 : index
    %get3A_1 = vector.load %arg1[%get3A, %get3A_0] : memref<1000x128xf32, #tpu.memory_space<vmem>>, vector<1000x128xf32>
    %get3A_2 = arith.constant 0 : index
    %get3A_3 = arith.constant 0 : index
    %get3A_4 = vector.load %arg2[%get3A_2, %get3A_3] : memref<128x128xf32, #tpu.memory_space<vmem>>, vector<128x128xf32>
    %dot_general3A = arith.constant dense<0.000000e+00> : vector<1000x128xf32>
    %dot_general3A_5 = tpu.matmul %get3A_1, %get3A_4, %dot_general3A {dimension_numbers = #tpu.dot_dimension_numbers<[1], [0], [0], [1], [0, 0, 1, 1], [], []>, transpose_lhs_hint = false} : vector<1000x128xf32>, vector<128x128xf32>, vector<1000x128xf32> -> vector<1000x128xf32>
    %swap3A = arith.constant 0 : index
    %swap3A_6 = arith.constant 0 : index
    %swap3A_7 = vector.load %arg3[%swap3A, %swap3A_6] : memref<1000x128xf32, #tpu.memory_space<vmem>>, vector<1000x128xf32>
    tpu.vector_store %arg3[%swap3A, %swap3A_6], %dot_general3A_5 {strides = array<i32>} : memref<1000x128xf32, #tpu.memory_space<vmem>>, vector<1000x128xf32>,
    return
  }
  func.func @transform_0(%arg0: i32) -> (i32, i32) {
    %c0_i32 = arith.constant 0 : i32
    %c0_i32_0 = arith.constant 0 : i32
    return %arg0, %c0_i32 : i32, i32
  }
  func.func @transform_1(%arg0: i32) -> (i32, i32) {
    %c0_i32 = arith.constant 0 : i32
    %c0_i32_0 = arith.constant 0 : i32
    %c0_i32_1 = arith.constant 0 : i32
    return %c0_i32, %c0_i32_0 : i32, i32
  }
  func.func @transform_2(%arg0: i32) -> (i32, i32) {
    %c0_i32 = arith.constant 0 : i32
    %c0_i32_0 = arith.constant 0 : i32
    return %arg0, %c0_i32 : i32, i32
  }
}

module attributes {stable_mosaic.version = 14 : i64} {
  func.func @_tc_z_body(%arg0: i32, %arg1: memref<1000x128xf32, #tpu.memory_space<vmem>>, %arg2: memref<128x128xf32, #tpu.memory_space<vmem>>, %arg3: memref<1x128xf32, #tpu.memory_space<vmem>>, %arg4: memref<1000x128xf32, #tpu.memory_space<vmem>>) attributes {dimension_semantics = [#tpu.dimension_semantics<arbitrary>], iteration_bounds = array<i64: 10>, scalar_prefetch = 0 : i64, scratch_operands = 0 : i64, tpu.core_type = #tpu.core_type<tc>, window_params = [{transform_indices = @transform_0, window_bounds = array<i64: 1000, 128>}, {pipeline_mode = #tpu.pipeline_mode<synchronous>, transform_indices = @transform_1, window_bounds = array<i64: 128, 128>}, {pipeline_mode = #tpu.pipeline_mode<synchronous>, transform_indices = @transform_2, window_bounds = array<i64: 1, 128>}, {transform_indices = @transform_3, window_bounds = array<i64: 1000, 128>}]} {
    %get3A = arith.constant 0 : index
    %get3A_0 = arith.constant 0 : index
    %get3A_1 = vector.load %arg1[%get3A, %get3A_0] : memref<1000x128xf32, #tpu.memory_space<vmem>>, vector<1000x128xf32>
    %get3A_2 = arith.constant 0 : index
    %get3A_3 = arith.constant 0 : index
    %get3A_4 = vector.load %arg2[%get3A_2, %get3A_3] : memref<128x128xf32, #tpu.memory_space<vmem>>, vector<128x128xf32>
    %dot_general3A = arith.constant dense<0.000000e+00> : vector<1000x128xf32>
    %dot_general3A_5 = tpu.matmul %get3A_1, %get3A_4, %dot_general3A {dimension_numbers = #tpu.dot_dimension_numbers<[1], [0], [0], [1], [0, 0, 1, 1], [], []>, transpose_lhs_hint = false} : vector<1000x128xf32>, vector<128x128xf32>, vector<1000x128xf32> -> vector<1000x128xf32>
    %get3A_6 = arith.constant 0 : index
    %get3A_7 = arith.constant 0 : index
    %get3A_8 = vector.load %arg3[%get3A_6, %get3A_7] : memref<1x128xf32, #tpu.memory_space<vmem>>, vector<1x128xf32>
    %add3A = vector.broadcast %get3A_8 : vector<1x128xf32> to vector<1000x128xf32>
    %add3A_9 = arith.addf %dot_general3A_5, %add3A : vector<1000x128xf32>
    %swap3A = arith.constant 0 : index
    %swap3A_10 = arith.constant 0 : index
    %swap3A_11 = vector.load %arg4[%swap3A, %swap3A_10] : memref<1000x128xf32, #tpu.memory_space<vmem>>, vector<1000x128xf32>
    tpu.vector_store %arg4[%swap3A, %swap3A_10], %add3A_9 {strides = array<i32>} : memref<1000x128xf32, #tpu.memory_space<vmem>>, vector<1000x128xf32>,
    return
  }
  func.func @transform_0(%arg0: i32) -> (i32, i32) {
    %c0_i32 = arith.constant 0 : i32
    %c0_i32_0 = arith.constant 0 : i32
    return %arg0, %c0_i32 : i32, i32
  }
  func.func @transform_1(%arg0: i32) -> (i32, i32) {
    %c0_i32 = arith.constant 0 : i32
    %c0_i32_0 = arith.constant 0 : i32
    %c0_i32_1 = arith.constant 0 : i32
    return %c0_i32, %c0_i32_0 : i32, i32
  }
  func.func @transform_2(%arg0: i32) -> (i32, i32) {
    %c0_i32 = arith.constant 0 : i32
    %c0_i32_0 = arith.constant 0 : i32
    %c0_i32_1 = arith.constant 0 : i32
    return %c0_i32, %c0_i32_0 : i32, i32
  }
  func.func @transform_3(%arg0: i32) -> (i32, i32) {
    %c0_i32 = arith.constant 0 : i32
    %c0_i32_0 = arith.constant 0 : i32
    return %arg0, %c0_i32 : i32, i32
  }
}

module attributes {stable_mosaic.version = 14 : i64} {
  func.func @_tc_comb_body(%arg0: i32, %arg1: memref<2x1000x128xf32, #tpu.memory_space<vmem>>, %arg2: memref<2x1000x16xf32, #tpu.memory_space<vmem>>, %arg3: memref<1000x128xf32, #tpu.memory_space<vmem>>, %arg4: memref<1000x128xf32, #tpu.memory_space<vmem>>, %arg5: memref<128x128xf32, #tpu.memory_space<vmem>>, %arg6: memref<1000x128xf32, #tpu.memory_space<vmem>>, %arg7: memref<1000x128xf32, #tpu.memory_space<vmem>>) attributes {dimension_semantics = [#tpu.dimension_semantics<arbitrary>], iteration_bounds = array<i64: 10>, scalar_prefetch = 0 : i64, scratch_operands = 0 : i64, tpu.core_type = #tpu.core_type<tc>, window_params = [{transform_indices = @transform_0, window_bounds = array<i64: 2, 1000, 128>}, {transform_indices = @transform_1, window_bounds = array<i64: 2, 1000, 16>}, {transform_indices = @transform_2, window_bounds = array<i64: 1000, 128>}, {transform_indices = @transform_3, window_bounds = array<i64: 1000, 128>}, {pipeline_mode = #tpu.pipeline_mode<synchronous>, transform_indices = @transform_4, window_bounds = array<i64: 128, 128>}, {transform_indices = @transform_5, window_bounds = array<i64: 1000, 128>}, {transform_indices = @transform_6, window_bounds = array<i64: 1000, 128>}]} {
    %get3A = arith.constant 0 : index
    %get3A_0 = arith.constant 0 : index
    %get3A_1 = arith.constant 0 : index
    %get3A_2 = vector.load %arg1[%get3A, %get3A_0, %get3A_1] : memref<2x1000x128xf32, #tpu.memory_space<vmem>>, vector<1x1000x128xf32>
    %get3A_3 = vector.shape_cast %get3A_2 : vector<1x1000x128xf32> to vector<1000x128xf32>
    %get3A_4 = arith.constant 1 : index
    %get3A_5 = arith.constant 0 : index
    %get3A_6 = arith.constant 0 : index
    %get3A_7 = vector.load %arg1[%get3A_4, %get3A_5, %get3A_6] : memref<2x1000x128xf32, #tpu.memory_space<vmem>>, vector<1x1000x128xf32>
    %get3A_8 = vector.shape_cast %get3A_7 : vector<1x1000x128xf32> to vector<1000x128xf32>
    %add3A = arith.addf %get3A_3, %get3A_8 : vector<1000x128xf32>
    %get3A_9 = arith.constant 0 : index
    %get3A_10 = arith.constant 0 : index
    %get3A_11 = arith.constant 0 : index
    %get3A_12 = vector.load %arg2[%get3A_9, %get3A_10, %get3A_11] : memref<2x1000x16xf32, #tpu.memory_space<vmem>>, vector<1x1000x1xf32>
    %get3A_13 = vector.shape_cast %get3A_12 : vector<1x1000x1xf32> to vector<1000x1xf32>
    %get3A_14 = arith.constant 1 : index
    %get3A_15 = arith.constant 0 : index
    %get3A_16 = arith.constant 0 : index
    %get3A_17 = vector.load %arg2[%get3A_14, %get3A_15, %get3A_16] : memref<2x1000x16xf32, #tpu.memory_space<vmem>>, vector<1x1000x1xf32>
    %get3A_18 = vector.shape_cast %get3A_17 : vector<1x1000x1xf32> to vector<1000x1xf32>
    %add3A_19 = arith.addf %get3A_13, %get3A_18 : vector<1000x1xf32>
    %max3A = arith.constant 1.000000e+00 : f32
    %max3A_20 = vector.broadcast %max3A : f32 to vector<1000x1xf32>
    %max3A_21 = arith.maximumf %add3A_19, %max3A_20 : vector<1000x1xf32>
    %div3A = arith.constant 1.000000e+00 : f32
    %div3A_22 = vector.broadcast %div3A : f32 to vector<1000x1xf32>
    %div3A_23 = arith.divf %div3A_22, %max3A_21 : vector<1000x1xf32>
    %get3A_24 = arith.constant 0 : index
    %get3A_25 = arith.constant 0 : index
    %get3A_26 = vector.load %arg3[%get3A_24, %get3A_25] : memref<1000x128xf32, #tpu.memory_space<vmem>>, vector<1000x128xf32>
    %mul3A = vector.broadcast %div3A_23 : vector<1000x1xf32> to vector<1000x128xf32>
    %mul3A_27 = arith.mulf %add3A, %mul3A : vector<1000x128xf32>
    %add3A_28 = arith.addf %get3A_26, %mul3A_27 : vector<1000x128xf32>
    %max3A_29 = arith.constant 0.000000e+00 : f32
    %max3A_30 = vector.broadcast %max3A_29 : f32 to vector<1000x128xf32>
    %max3A_31 = arith.maximumf %add3A_28, %max3A_30 : vector<1000x128xf32>
    %get3A_32 = arith.constant 0 : index
    %get3A_33 = arith.constant 0 : index
    %get3A_34 = vector.load %arg4[%get3A_32, %get3A_33] : memref<1000x128xf32, #tpu.memory_space<vmem>>, vector<1000x128xf32>
    %mul3A_35 = arith.mulf %max3A_31, %get3A_34 : vector<1000x128xf32>
    %swap3A = arith.constant 0 : index
    %swap3A_36 = arith.constant 0 : index
    %swap3A_37 = vector.load %arg7[%swap3A, %swap3A_36] : memref<1000x128xf32, #tpu.memory_space<vmem>>, vector<1000x128xf32>
    tpu.vector_store %arg7[%swap3A, %swap3A_36], %mul3A_35 {strides = array<i32>} : memref<1000x128xf32, #tpu.memory_space<vmem>>, vector<1000x128xf32>,
    %get3A_38 = arith.constant 0 : index
    %get3A_39 = arith.constant 0 : index
    %get3A_40 = vector.load %arg5[%get3A_38, %get3A_39] : memref<128x128xf32, #tpu.memory_space<vmem>>, vector<128x128xf32>
    %dot_general3A = arith.constant dense<0.000000e+00> : vector<1000x128xf32>
    %dot_general3A_41 = tpu.matmul %mul3A_35, %get3A_40, %dot_general3A {dimension_numbers = #tpu.dot_dimension_numbers<[1], [0], [0], [1], [0, 0, 1, 1], [], []>, transpose_lhs_hint = false} : vector<1000x128xf32>, vector<128x128xf32>, vector<1000x128xf32> -> vector<1000x128xf32>
    %swap3A_42 = arith.constant 0 : index
    %swap3A_43 = arith.constant 0 : index
    %swap3A_44 = vector.load %arg6[%swap3A_42, %swap3A_43] : memref<1000x128xf32, #tpu.memory_space<vmem>>, vector<1000x128xf32>
    tpu.vector_store %arg6[%swap3A_42, %swap3A_43], %dot_general3A_41 {strides = array<i32>} : memref<1000x128xf32, #tpu.memory_space<vmem>>, vector<1000x128xf32>,
    return
  }
  func.func @transform_0(%arg0: i32) -> (i32, i32, i32) {
    %c0_i32 = arith.constant 0 : i32
    %c0_i32_0 = arith.constant 0 : i32
    %c0_i32_1 = arith.constant 0 : i32
    return %c0_i32, %arg0, %c0_i32_0 : i32, i32, i32
  }
  func.func @transform_1(%arg0: i32) -> (i32, i32, i32) {
    %c0_i32 = arith.constant 0 : i32
    %c0_i32_0 = arith.constant 0 : i32
    %c0_i32_1 = arith.constant 0 : i32
    return %c0_i32, %arg0, %c0_i32_0 : i32, i32, i32
  }
  func.func @transform_2(%arg0: i32) -> (i32, i32) {
    %c0_i32 = arith.constant 0 : i32
    %c0_i32_0 = arith.constant 0 : i32
    return %arg0, %c0_i32 : i32, i32
  }
  func.func @transform_3(%arg0: i32) -> (i32, i32) {
    %c0_i32 = arith.constant 0 : i32
    %c0_i32_0 = arith.constant 0 : i32
    return %arg0, %c0_i32 : i32, i32
  }
  func.func @transform_4(%arg0: i32) -> (i32, i32) {
    %c0_i32 = arith.constant 0 : i32
    %c0_i32_0 = arith.constant 0 : i32
    %c0_i32_1 = arith.constant 0 : i32
    return %c0_i32, %c0_i32_0 : i32, i32
  }
  func.func @transform_5(%arg0: i32) -> (i32, i32) {
    %c0_i32 = arith.constant 0 : i32
    %c0_i32_0 = arith.constant 0 : i32
    return %arg0, %c0_i32 : i32, i32
  }
  func.func @transform_6(%arg0: i32) -> (i32, i32) {
    %c0_i32 = arith.constant 0 : i32
    %c0_i32_0 = arith.constant 0 : i32
    return %arg0, %c0_i32 : i32, i32
  }
}

module attributes {stable_mosaic.version = 14 : i64} {
  func.func @_tc_final_body(%arg0: i32, %arg1: memref<2x1000x128xf32, #tpu.memory_space<vmem>>, %arg2: memref<2x1000x16xf32, #tpu.memory_space<vmem>>, %arg3: memref<1000x128xf32, #tpu.memory_space<vmem>>, %arg4: memref<1000x128xf32, #tpu.memory_space<vmem>>) attributes {dimension_semantics = [#tpu.dimension_semantics<arbitrary>], iteration_bounds = array<i64: 10>, scalar_prefetch = 0 : i64, scratch_operands = 0 : i64, tpu.core_type = #tpu.core_type<tc>, window_params = [{transform_indices = @transform_0, window_bounds = array<i64: 2, 1000, 128>}, {transform_indices = @transform_1, window_bounds = array<i64: 2, 1000, 16>}, {transform_indices = @transform_2, window_bounds = array<i64: 1000, 128>}, {transform_indices = @transform_3, window_bounds = array<i64: 1000, 128>}]} {
    %get3A = arith.constant 0 : index
    %get3A_0 = arith.constant 0 : index
    %get3A_1 = arith.constant 0 : index
    %get3A_2 = vector.load %arg1[%get3A, %get3A_0, %get3A_1] : memref<2x1000x128xf32, #tpu.memory_space<vmem>>, vector<1x1000x128xf32>
    %get3A_3 = vector.shape_cast %get3A_2 : vector<1x1000x128xf32> to vector<1000x128xf32>
    %get3A_4 = arith.constant 1 : index
    %get3A_5 = arith.constant 0 : index
    %get3A_6 = arith.constant 0 : index
    %get3A_7 = vector.load %arg1[%get3A_4, %get3A_5, %get3A_6] : memref<2x1000x128xf32, #tpu.memory_space<vmem>>, vector<1x1000x128xf32>
    %get3A_8 = vector.shape_cast %get3A_7 : vector<1x1000x128xf32> to vector<1000x128xf32>
    %add3A = arith.addf %get3A_3, %get3A_8 : vector<1000x128xf32>
    %get3A_9 = arith.constant 0 : index
    %get3A_10 = arith.constant 0 : index
    %get3A_11 = arith.constant 0 : index
    %get3A_12 = vector.load %arg2[%get3A_9, %get3A_10, %get3A_11] : memref<2x1000x16xf32, #tpu.memory_space<vmem>>, vector<1x1000x1xf32>
    %get3A_13 = vector.shape_cast %get3A_12 : vector<1x1000x1xf32> to vector<1000x1xf32>
    %get3A_14 = arith.constant 1 : index
    %get3A_15 = arith.constant 0 : index
    %get3A_16 = arith.constant 0 : index
    %get3A_17 = vector.load %arg2[%get3A_14, %get3A_15, %get3A_16] : memref<2x1000x16xf32, #tpu.memory_space<vmem>>, vector<1x1000x1xf32>
    %get3A_18 = vector.shape_cast %get3A_17 : vector<1x1000x1xf32> to vector<1000x1xf32>
    %add3A_19 = arith.addf %get3A_13, %get3A_18 : vector<1000x1xf32>
    %max3A = arith.constant 1.000000e+00 : f32
    %max3A_20 = vector.broadcast %max3A : f32 to vector<1000x1xf32>
    %max3A_21 = arith.maximumf %add3A_19, %max3A_20 : vector<1000x1xf32>
    %div3A = arith.constant 1.000000e+00 : f32
    %div3A_22 = vector.broadcast %div3A : f32 to vector<1000x1xf32>
    %div3A_23 = arith.divf %div3A_22, %max3A_21 : vector<1000x1xf32>
    %get3A_24 = arith.constant 0 : index
    %get3A_25 = arith.constant 0 : index
    %get3A_26 = vector.load %arg3[%get3A_24, %get3A_25] : memref<1000x128xf32, #tpu.memory_space<vmem>>, vector<1000x128xf32>
    %mul3A = vector.broadcast %div3A_23 : vector<1000x1xf32> to vector<1000x128xf32>
    %mul3A_27 = arith.mulf %add3A, %mul3A : vector<1000x128xf32>
    %add3A_28 = arith.addf %get3A_26, %mul3A_27 : vector<1000x128xf32>
    %swap3A = arith.constant 0 : index
    %swap3A_29 = arith.constant 0 : index
    %swap3A_30 = vector.load %arg4[%swap3A, %swap3A_29] : memref<1000x128xf32, #tpu.memory_space<vmem>>, vector<1000x128xf32>
    tpu.vector_store %arg4[%swap3A, %swap3A_29], %add3A_28 {strides = array<i32>} : memref<1000x128xf32, #tpu.memory_space<vmem>>, vector<1000x128xf32>,
    return
  }
  func.func @transform_0(%arg0: i32) -> (i32, i32, i32) {
    %c0_i32 = arith.constant 0 : i32
    %c0_i32_0 = arith.constant 0 : i32
    %c0_i32_1 = arith.constant 0 : i32
    return %c0_i32, %arg0, %c0_i32_0 : i32, i32, i32
  }
  func.func @transform_1(%arg0: i32) -> (i32, i32, i32) {
    %c0_i32 = arith.constant 0 : i32
    %c0_i32_0 = arith.constant 0 : i32
    %c0_i32_1 = arith.constant 0 : i32
    return %c0_i32, %arg0, %c0_i32_0 : i32, i32, i32
  }
  func.func @transform_2(%arg0: i32) -> (i32, i32) {
    %c0_i32 = arith.constant 0 : i32
    %c0_i32_0 = arith.constant 0 : i32
    return %arg0, %c0_i32 : i32, i32
  }
  func.func @transform_3(%arg0: i32) -> (i32, i32) {
    %c0_i32 = arith.constant 0 : i32
    %c0_i32_0 = arith.constant 0 : i32
    return %arg0, %c0_i32 : i32, i32
  }
}

</mosaic_0001>

<sc_bundles>
// kernel: kernel.13.cloned.1.call-start
scs
__scs_entry_jumppad:
0x0: {  	(pc) =	sbr.rel $0x88, $3  }
0x1: {  	(tag) =	ssettag $0x0;
	lr =	simm.s32 $0x1  }
0x2: {  	[smem:$0x3F95] =	sst lr;
	_ =	strace $0xD0000000  }
0x3: {  	_ = 	snop  }
0x4: {  	_ = 	snop  }
0x5: {  	_ = 	snop  }
0x6: {  	_ = 	snop  }
0x7: {  	_ = 	snop  }
__scs_overlays_trampoline_lowered:
0x8: {  	[smem:$0x3FA4] =	sst s0  }
0x9: {  	[smem:$0x3FA5] =	sst s1  }
0xa: {  	[smem:$0x3FA6] =	sst s2  }
0xb: {  	[smem:$0x3FA7] =	sst s3  }
0xc: {  	[smem:$0x3FA8] =	sst s4  }
0xd: {  	[smem:$0x3FA9] =	sst s5  }
0xe: {  	[smem:$0x3FAA] =	sst s6  }
0xf: {  	[smem:$0x3FAB] =	sst s7  }
0x10: {  	[smem:$0x3FAC] =	sst s8  }
0x11: {  	[smem:$0x3FAD] =	sst s9;
	s0 =	simm.s32 @!p0 $0x0  }
0x12: {  	s1 =	sld [smem:$0x3F93];
	s0 =	simm.s32 @p0 $0x1  }
0x13: {  	[smem:$0x3FAE] =	sst s0;
	s0 =	simm.s32 @!p1 $0x0  }
0x14: {  	s2 =	sld [smem:$0x3F92];
	s0 =	simm.s32 @p1 $0x1  }
0x15: {  	[smem:$0x3FAF] =	sst s0;
	s0 =	simm.s32 @!p2 $0x0  }
0x16: {  	s3 =	sld [smem:$0x3FDB];
	s0 =	simm.s32 @p2 $0x1  }
0x17: {  	s4 =	simm.s32 $0x1BF5;
	[smem:$0x3FB1] =	sst s0  }
0x18: {  	s0 =	sld [smem:$0x3F94];
	_ =	swait.ge [sflag:s4], $0x0  }
0x19: {  	s7 =	sld [smem:$0x3F95]  }
0x1a: {  	s8 =	sadd.s32 $0xFFFFE003, lr  }
0x1b: {  	s9 =	sadd.s32 $0xFFFFFEF7, lr;
	s5 =	simm.s32 $0xFFFFFFFF;
	p2 =	slt.u32 s8, $0xFFFFF086  }
0x1c: {  	p1 =	slt.u32 s9, $0xF7A;
	s5 =	simm.s32 @!p2 $0x0  }
0x1d: {  	s5 =	simm.s32 @p1 $0x1;
	p0 =	seq.s32 s7, s2  }
0x1e: {  	s7 =	smul.u32 @!p0 $0xF7A, s2;
	p2 =	seq.s32 @!p0 s5, $0x0  }
0x1f: {  	s9 =	smul.u32 $0xF7A, s1;
	s8 =	simm.s32 @!p0 $0x1BF5;
	p2 =	por !p2, p0  }
0x20: {  	[sflag:s8] =	ssyncset.s32 @!p0 $0xFFFFF086;
	s6 =	sadd.s32 @!p0 s3, s7;
	s7 =	simm.s32 @!p0 $0x108  }
0x21: {  	s3 =	sadd.s32 s3, s9;
	s6 =	sadd.s32 @!p0 $0x88, s6;
	s7 =	simm.s32 @p2 $0x1082  }
0x22: {  	[simem:s7], [sflag:s8] =	dma.local @!p0 [hbm:s6], $0xF7A  }
0x23: {  	s9 =	sor.u32 $0xD0000000, s2;
	s6 =	simm.s32 $0x108;
	_ =	swait.ge @!p0 [sflag:s8], $0x0  }
0x24: {  	s3 =	sadd.s32 $0x88, s3;
	s6 =	simm.s32 @!p1 $0x1082;
	[sflag:s4] =	ssyncset.s32 $0xFFFFF086  }
0x25: {  	[simem:s6], [sflag:s4] =	dma.local [hbm:s3], $0xF7A  }
0x26: {  	[smem:$0x3F95] =	sst s1;
	(tag) =	ssettag s2;
	_ =	strace s9  }
0x27: {  	s1 =	sld [smem:$0x3FA5]  }
0x28: {  	s2 =	sld [smem:$0x3FA6]  }
0x29: {  	s4 =	sld [smem:$0x3FA8]  }
0x2a: {  	p0 =	seq.s32 s5, $0x0;
	s5 =	sld [smem:$0x3FA9]  }
0x2b: {  	s6 =	sld [smem:$0x3FAA]  }
0x2c: {  	s7 =	sld [smem:$0x3FAB]  }
0x2d: {  	s3 =	simm.s32 $0x108;
	s8 =	sld [smem:$0x3FAC]  }
0x2e: {  	s3 =	simm.s32 @!p0 $0x1082;
	s9 =	sld [smem:$0x3FAD]  }
0x2f: {  	lr =	sadd.s32 s0, s3;
	s0 =	sld [smem:$0x3FA4]  }
0x30: {  	s3 =	sld [smem:$0x3FA7]  }
0x31: {  	[smem:$0x3FB0] =	sst s10  }
0x32: {  	s10 =	sld [smem:$0x3FAE];
	_ =	sdelay $0x3  }
0x33: {  	p0 =	seq.s32 s10, $0x1;
	s10 =	sld [smem:$0x3FB0];
	_ =	sdelay $0x3  }
0x34: {  	[smem:$0x3FB0] =	sst s10  }
0x35: {  	s10 =	sld [smem:$0x3FAF];
	_ =	sdelay $0x3  }
0x36: {  	p1 =	seq.s32 s10, $0x1;
	s10 =	sld [smem:$0x3FB0];
	_ =	sdelay $0x3  }
0x37: {  	[smem:$0x3FB0] =	sst s10  }
0x38: {  	s10 =	sld [smem:$0x3FB1]  }
0x39: {  	_ = 	snop;
	(pc) =	sbr.ind lr, $3  }
0x3a: {  	_ = 	snop  }
0x3b: {  	_ = 	snop  }
0x3c: {  	p2 =	seq.s32 s10, $0x1;
	s10 =	sld [smem:$0x3FB0]  }
0x3d: {  	_ =	shalt  }
0x3e: {  	_ =	shalt  }
0x3f: {  	_ =	shalt  }
0x40: {  	_ =	shalt  }
0x41: {  	_ =	shalt  }
0x42: {  	_ =	shalt  }
0x43: {  	_ =	shalt  }
0x44: {  	_ =	shalt  }
0x45: {  	_ =	shalt  }
0x46: {  	_ =	shalt  }
0x47: {  	_ =	shalt  }
0x48: {  	_ =	shalt  }
0x49: {  	_ =	shalt  }
0x4a: {  	_ =	shalt  }
0x4b: {  	_ =	shalt  }
0x4c: {  	_ =	shalt  }
0x4d: {  	_ =	shalt  }
0x4e: {  	_ =	shalt  }
0x4f: {  	_ =	shalt  }
0x50: {  	_ =	shalt  }
0x51: {  	_ =	shalt  }
0x52: {  	_ =	shalt  }
0x53: {  	_ =	shalt  }
0x54: {  	_ =	shalt  }
0x55: {  	_ =	shalt  }
0x56: {  	_ =	shalt  }
0x57: {  	_ =	shalt  }
0x58: {  	_ =	shalt  }
0x59: {  	_ =	shalt  }
0x5a: {  	_ =	shalt  }
0x5b: {  	_ =	shalt  }
0x5c: {  	_ =	shalt  }
0x5d: {  	_ =	shalt  }
0x5e: {  	_ =	shalt  }
0x5f: {  	_ =	shalt  }
0x60: {  	_ =	shalt  }
0x61: {  	_ =	shalt  }
0x62: {  	_ =	shalt  }
0x63: {  	_ =	shalt  }
0x64: {  	_ =	shalt  }
0x65: {  	_ =	shalt  }
0x66: {  	_ =	shalt  }
0x67: {  	_ =	shalt  }
0x68: {  	_ =	shalt  }
0x69: {  	_ =	shalt  }
0x6a: {  	_ =	shalt  }
0x6b: {  	_ =	shalt  }
0x6c: {  	_ =	shalt  }
0x6d: {  	_ =	shalt  }
0x6e: {  	_ =	shalt  }
0x6f: {  	_ =	shalt  }
0x70: {  	_ =	shalt  }
0x71: {  	_ =	shalt  }
0x72: {  	_ =	shalt  }
0x73: {  	_ =	shalt  }
0x74: {  	_ =	shalt  }
0x75: {  	_ =	shalt  }
0x76: {  	_ =	shalt  }
0x77: {  	_ =	shalt  }
0x78: {  	_ =	shalt  }
0x79: {  	_ =	shalt  }
0x7a: {  	_ =	shalt  }
0x7b: {  	_ =	shalt  }
0x7c: {  	_ =	shalt  }
0x7d: {  	_ =	shalt  }
0x7e: {  	_ =	shalt  }
0x7f: {  	_ =	shalt  }
0x80: {  	_ =	shalt  }
0x81: {  	_ =	shalt  }
0x82: {  	_ =	shalt  }
0x83: {  	_ =	shalt  }
0x84: {  	_ =	shalt  }
0x85: {  	_ =	shalt  }
0x86: {  	_ =	shalt  }
0x87: {  	_ =	shalt  }
.Lfunc_end0:
.L_simem_size_0:
called_computation_lowered:
.L_overlay_start_0:
0x88: {  	s2 =	sld [smem:$0x3FD9]  }
0x89: {  	s3 =	sld [smem:$0x3FFE];
	_ =	sdelay $0x1  }
0x8a: {  	s1 =	srdreg.scid  }
0x8b: {  	s0 =	sand.u32 $0x1, s1  }
0x8c: {  	s17 =	sshll.u32 s0, $0xA;
	s2 =	sadd.s32 s3, s2  }
0x8d: {  	s2 =	sadd.s32 s2, s17  }
0x8e: {  	[smem:$0x3FBC] =	sst s2  }
0x8f: {  	_ = 	snop  }
0x90: {  	s18 =	sld [smem:$0x3FD0];
	(tm) =	ssettm $0x1  }
0x91: {  	s19 =	sld [smem:$0x3FFB];
	_ =	sdelay $0x3  }
0x92: {  	_ =	strace s19  }
0x93: {  	s2 =	sld [smem:$0x3FFC];
	_ =	sdelay $0x3  }
0x94: {  	_ =	strace s2  }
0x95: {  	s2 =	sld [smem:$0x3FFD];
	_ =	sdelay $0x3  }
0x96: {  	_ =	strace s2  }
0x97: {  	_ =	strace $0x8FFFFFFF  }
0x98: {  	s20 =	sld [smem:$0x3FDB];
	_ =	sdelay $0x1  }
0x99: {  	s4 =	simm.s32 $_scs_section_size  }
0x9a: {  	s5 =	simm.s32 $_size__tile_overlayer_lowered;
	s6 =	simm.s32 $_tile_overlayer_lowered  }
0x9b: {  	s7 =	simm.s32 $0x1BFF;
	s21 =	sshll.u32 s6, $0x1;
	s4 =	sadd.s32 s4, s20  }
0x9c: {  	s22 =	simm.s32 $0x0;
	s5 =	sshll.u32 s5, $0x1;
	s6 =	sadd.s32 s21, s4  }
0x9d: {  	[timem:s22], [sflag:s7] =	dma.local [hbm:s6], s5  }
0x9e: {  	_ =	swait.ge [sflag:s7], s5  }
0x9f: {  	s5 =	ssub.s32 $0x0, s5;
	[sflag:s7] =	ssyncset.done $0x0  }
0xa0: {  	[sflag:s7] =	ssyncadd.s32 s5;
	_ =	sdelay $0x1  }
0xa1: {  	s23 =	simm.s32 $0x1B8B  }
0xa2: {  	_ =	swait.ge [sflag:s23], $0x1  }
0xa3: {  	[sflag:s23] =	ssyncset.done $0x0  }
0xa4: {  	[sflag:s23] =	ssyncadd.s32 $0xFFFFFFFF  }
0xa5: {  	s5 =	sld [smem:$0x0]  }
0xa6: {  	s6 =	sand.u32 $0xFFFFFFFE, s1  }
0xa7: {  	p0 =	sne.s32 s1, s6  }
0xa8: {  	s6 =	sshll.u32 @p0 s6, $0xE  }
0xa9: {  	s6 =	sadd.s32 @p0 $0x11B8D, s6;
	s7 =	sshll.u32 @p0 s5, $0x11  }
0xaa: {  	s6 =	sor.u32 @p0 s7, s6  }
0xab: {  	[sflag:s6] =	ssyncadd.remote.s32 @p0 $0x1;
	_ =	sdelay $0x1  }
0xac: {  	s6 =	simm.s32 @p0 $0x1B8D  }
0xad: {  	_ =	swait.eq @p0 [sflag:s6], $0x1  }
0xae: {  	[sflag:s6] =	ssyncadd.s32 @p0 $0xFFFFFFFF  }
0xaf: {  	s7 =	sshll.u32 @!p0 s1, $0xE  }
0xb0: {  	s7 =	sor.u32 @!p0 $0x4000, s7;
	s6 =	simm.s32 @!p0 $0x1B8D  }
0xb1: {  	s5 =	sshll.u32 @!p0 s5, $0x11;
	s7 =	sadd.s32 @!p0 $0x11B8D, s7;
	_ =	swait.eq @!p0 [sflag:s6], $0x1  }
0xb2: {  	s5 =	sor.u32 @!p0 s5, s7;
	[sflag:s6] =	ssyncadd.s32 @!p0 $0xFFFFFFFF  }
0xb3: {  	s25 =	simm.s32 $0x1B8E;
	s24 =	sld [smem:$0x3FFE];
	[sflag:s5] =	ssyncadd.remote.s32 @!p0 $0x1  }
0xb4: {  	s26 =	simm.s32 $execute0_lowered;
	[smem:$0x3FD2] =	sst s25  }
0xb5: {  	s6 =	sshll.u32 s26, $0x1;
	_ =	strace $0x80000049;
	[dreg:$0x1] =	wrdreg $0xFFFFFFFF  }
0xb6: {  	s28 =	simm.s32 $_size_execute0_lowered;
	s4 =	sadd.s32 s4, s6;
	[dreg:$0x0] =	wrdreg $0x0  }
0xb7: {  	s6 =	sshll.u32 s28, $0x1;
	[dreg:$0x2] =	wrdreg s4  }
0xb8: {  	[dreg:$0x3] =	wrdreg s6  }
0xb9: {  	[dreg:$0x4] =	wrdreg $0xC0  }
0xba: {  	_ =	task [dreg:s22], $0x5FFFF  }
0xbb: {  	[dreg:$0x1] =	wrdreg $0xFFFFFFFF  }
0xbc: {  	[dreg:$0x0] =	wrdreg $0x60  }
0xbd: {  	[dreg:$0x2] =	wrdreg s18  }
0xbe: {  	[dreg:$0x3] =	wrdreg s24  }
0xbf: {  	[dreg:$0x4] =	wrdreg $0xB5400  }
0xc0: {  	[dreg:$0x5] =	wrdreg $0x9  }
0xc1: {  	_ =	task.clear_ibuf [dreg:s22], $0x6FFFF;
	_ =	strace $0x90000049  }
0xc2: {  	s29 =	simm.s32 $0x9;
	_ =	strace $0x8000004B  }
0xc3: {  	_ =	swait.ge [sflag:s29], $0x1  }
0xc4: {  	[sflag:s29] =	ssyncadd.s32 $0xFFFFFFFF  }
0xc5: {  	_ =	strace $0x9000004B  }
0xc6: {  	_ =	sfence  }
0xc7: {  	s30 =	sld [smem:$0x0];
	_ =	sdelay $0x2  }
0xc8: {  	s31 =	sshll.u32 s1, $0xD;
	s1 =	sshrl.u32 s1, $0x2  }
0xc9: {  	s4 =	sand.u32 $0x4000, s31;
	s1 =	sadd.s32 s1, s30  }
0xca: {  	s0 =	sor.u32 s4, s0;
	s1 =	sshll.u32 s1, $0x11  }
0xcb: {  	s0 =	sor.u32 s1, s0  }
0xcc: {  	s0 =	sadd.s32 $0x8F2B, s0  }
0xcd: {  	[sflag:s0] =	ssyncadd.remote.s32 $0x1  }
0xce: {  	_ =	sfence.sel $0xFFFF  }
0xcf: {  	[dreg:$0x0] =	wrdreg $0xFFFFFFFF;
	(pc) =	sbr.abs _section_cstart, $3  }
0xd0: {  	[dreg:$0x1] =	wrdreg $0xFFFFFFFF  }
0xd1: {  	_ =	task.clear_ibuf [dreg:s22], $0x2FFFF;
	_ =	strace $0x9FFFFFFF  }
0xd2: {  	(tm) =	ssettm $0x7FFFFFFF  }
0xd3: {  	_ =	shalt  }
tec
execute0_lowered:
.L_overlay_start_1:
0x0: {  	(tag) =	ssettag $0x1  }
0x1: {  	s1 =	rddreg [dreg:$0x0]  }
0x2: {  	s2 =	srdreg.scid;
	s6 =	rddreg [dreg:$0x1]  }
0x3: {  	s0 =	stileid.u32;
	s3 =	rddreg [dreg:$0x2];
	s4 =	simm.s32 $0x0  }
0x4: {  	s12 =	simm.s32 $0x64;
	s13 =	simm.s32 $0x5140;
	s14 =	simm.s32 $0x68  }
0x5: {  	s15 =	simm.s32 $0x8340;
	s18 =	simm.s32 $0x1;
	s19 =	simm.s32 $0x2  }
0x6: {  	s20 =	simm.s32 $0x5070;
	s21 =	simm.s32 $0x50D8;
	s22 =	simm.s32 $0x0  }
0x7: {  	s5 =	sand.u32 $0x1, s2;
	s31 =	sshll.u32 s0, $0x1;
	s8 =	smul.u32 $0x14000, s0  }
0x8: {  	[smem:$0x7FF] =	sst s4;
	s16 =	sshll.u32 s0, $0x6;
	s2 =	sor.u32 s5, s31  }
0x9: {  	s9 =	smul.u32 $0x140000, s5;
	s10 =	ssub.s32 $0x2, s5;
	s5 =	sadd.s32 $0x36800, s6  }
0xa: {  	s16 =	sor.u32 $0x1C03, s16;
	s7 =	smul.u32 $0x514, s2;
	s2 =	rddreg [dreg:$0x3]  }
0xb: {  	_ =	strace $0x8000004A;
	s11 =	sshrl.u32 s10, $0x1;
	s17 =	sadd.s32 s8, s3  }
0xc: {  	s9 =	sadd.s32 s8, s9;
	s10 =	ssub.s32 s10, s11;
	s11 =	simm.s32 $0x28A0  }
0xd: {  	s17 =	sshrl.u32 s17, $0x3;
	s7 =	sadd.s32 s7, s6;
	s9 =	sshrl.u32 s9, $0x3  }
0xe: {  	s9 =	sadd.s32 s9, s6;
	s6 =	sadd.s32 $0x2C400, s7;
	s7 =	sadd.s32 $0x3400, s7  }
0xf: {  	s8 =	sadd.s32 $0x39000, s9;
	s9 =	smax.u32 s10, $0x1;
	s10 =	simm.s32 $0x3  }
.LBB2_1:
0x10: {  	[tilespmem:s4], [sflag:$0x3] =	stream.linear.gather [hbm4b:s6+s4], $0x28A0, $0x38;
	[tilespmem:$0x1F540] =	vst v63  }
0x11: {  	_ =	swait.ge [sflag:s10], $0x28A0  }
0x12: {  	[sflag:s10] =	ssyncset.done $0x0  }
0x13: {  	[sflag:s10] =	ssyncadd.s32 $0xFFFFD760  }
0x14: {  	[tilespmem:s11], [sflag:$0x3] =	stream.linear.gather [hbm4b:s7+s4], $0x28A0, $0x38;
	[tilespmem:$0x1F540] =	vst v63  }
0x15: {  	_ =	swait.ge [sflag:s10], $0x28A0  }
0x16: {  	[sflag:s10] =	ssyncset.done $0x0  }
0x17: {  	[sflag:s10] =	ssyncadd.s32 $0xFFFFD760  }
0x18: {  	[tilespmem:s13], [sflag:$0x1] =	stream.indirect.gather [hbm4b:s1+s12], $0x80, s4, s12, $0xb8;
	[tilespmem:$0x1F540] =	vst v63  }
0x19: {  	_ = 	snop  }
0x1a: {  	[tilespmem:s15], [sflag:$0x2] =	stream.indirect.gather [hbm4b:s1+s12], $0x80, s14, s12, $0xb8;
	[tilespmem:$0x1F540] =	vst v63  }
0x1b: {  	[spmem:s17], [sflag:s16] =	dma.local [hbm:s5], $0x2800  }
0x1c: {  	_ =	swait.ge [sflag:s10], $0x2800  }
0x1d: {  	[sflag:s10] =	ssyncset.done $0x0  }
0x1e: {  	[sflag:s10] =	ssyncadd.s32 $0xFFFFD800  }
0x1f: {  	[bflag:$0x0] =	sbarrier.arrive $0xFFFF  }
0x20: {  	_ =	swait.ge [sflag:s18], $0x3200  }
0x21: {  	[sflag:s18] =	ssyncset.done $0x0  }
0x22: {  	s23 =	simm.s32 $0x28A0;
	[sflag:s18] =	ssyncadd.s32 $0xFFFFCE00  }
0x23: {  	[spmem:s3] =	stream.indirect.scatter.add.f32 [tilespmem:s13], [sflag:$0x3], $0x80, s23, s12, $0xb8;
	[tilespmem:$0x1F540] =	vst v63  }
0x24: {  	_ =	swait.ge [sflag:s10], $0x3200  }
0x25: {  	[sflag:s10] =	ssyncset.done $0x0  }
0x26: {  	s30 =	simm.s32 $0xD0;
	[sflag:s10] =	ssyncadd.s32 $0xFFFFCE00  }
0x27: {  	[tilespmem:s13], [sflag:$0x1] =	stream.indirect.gather [hbm4b:s1+s12], $0x80, s30, s12, $0xb8;
	[tilespmem:$0x1F540] =	vst v63  }
0x28: {  	_ =	swait.ge [sflag:s19], $0x3200  }
0x29: {  	[sflag:s19] =	ssyncset.done $0x0  }
0x2a: {  	s31 =	simm.s32 $0x2908;
	[sflag:s19] =	ssyncadd.s32 $0xFFFFCE00  }
0x2b: {  	[spmem:s3] =	stream.indirect.scatter.add.f32 [tilespmem:s15], [sflag:$0x3], $0x80, s31, s12, $0xb8;
	[tilespmem:$0x1F540] =	vst v63  }
0x2c: {  	_ =	swait.ge [sflag:s10], $0x3200  }
0x2d: {  	[sflag:s10] =	ssyncset.done $0x0  }
0x2e: {  	s24 =	simm.s32 $0x138;
	s23 =	simm.s32 $0x340;
	[sflag:s10] =	ssyncadd.s32 $0xFFFFCE00  }
.LBB2_2:
0x2f: {  	[tilespmem:s15], [sflag:$0x2] =	stream.indirect.gather [hbm4b:s1+s12], $0x80, s24, s12, $0xb8;
	[tilespmem:$0x1F540] =	vst v63  }
0x30: {  	s24 =	smov.u32 s23  }
0x31: {  	p0 =	sne.s32 s23, $0x9C00;
	s23 =	sadd.s32 $0x340, s23;
	_ =	swait.ge [sflag:s18], $0x3200  }
0x32: {  	s24 =	sshra.s32 s24, $0x2;
	[sflag:s18] =	ssyncset.done $0x0  }
0x33: {  	s25 =	sadd.s32 $0x28A0, s24;
	[sflag:s18] =	ssyncadd.s32 $0xFFFFCE00  }
0x34: {  	[spmem:s3] =	stream.indirect.scatter.add.f32 [tilespmem:s13], [sflag:$0x3], $0x80, s25, s12, $0xb8;
	[tilespmem:$0x1F540] =	vst v63  }
0x35: {  	_ =	swait.ge [sflag:s10], $0x3200  }
0x36: {  	[sflag:s10] =	ssyncset.done $0x0  }
0x37: {  	s25 =	sadd.s32 $0xD0, s24;
	[sflag:s10] =	ssyncadd.s32 $0xFFFFCE00  }
0x38: {  	[tilespmem:s13], [sflag:$0x1] =	stream.indirect.gather [hbm4b:s1+s12], $0x80, s25, s12, $0xb8;
	[tilespmem:$0x1F540] =	vst v63  }
0x39: {  	_ =	swait.ge [sflag:s19], $0x3200  }
0x3a: {  	[sflag:s19] =	ssyncset.done $0x0  }
.Ltmp0:
0x3b: {  	s25 =	sadd.s32 $0x2908, s24;
	[sflag:s19] =	ssyncadd.s32 $0xFFFFCE00;
	(pc) =	sbr.rel @p0 .LBB2_2-.Ltmp0, $4  }
0x3c: {  	[spmem:s3] =	stream.indirect.scatter.add.f32 [tilespmem:s15], [sflag:$0x3], $0x80, s25, s12, $0xb8;
	[tilespmem:$0x1F540] =	vst v63  }
0x3d: {  	_ =	swait.ge [sflag:s10], $0x3200  }
0x3e: {  	[sflag:s10] =	ssyncset.done $0x0  }
0x3f: {  	s24 =	sadd.s32 $0x138, s24;
	[sflag:s10] =	ssyncadd.s32 $0xFFFFCE00  }
0x40: {  	[tilespmem:s15], [sflag:$0x2] =	stream.indirect.gather [hbm4b:s1+s12], $0x80, s24, s12, $0xb8;
	[tilespmem:$0x1F540] =	vst v63  }
0x41: {  	_ =	swait.ge [sflag:s18], $0x3200  }
0x42: {  	[sflag:s18] =	ssyncset.done $0x0  }
0x43: {  	[sflag:s18] =	ssyncadd.s32 $0xFFFFCE00  }
0x44: {  	[spmem:s3] =	stream.indirect.scatter.add.f32 [tilespmem:s13], [sflag:$0x3], $0x80, s20, s12, $0xb8;
	[tilespmem:$0x1F540] =	vst v63  }
0x45: {  	_ =	swait.ge [sflag:s10], $0x3200  }
0x46: {  	[sflag:s10] =	ssyncset.done $0x0  }
0x47: {  	[sflag:s10] =	ssyncadd.s32 $0xFFFFCE00  }
0x48: {  	_ =	swait.ge [sflag:s19], $0x3200  }
0x49: {  	[sflag:s19] =	ssyncset.done $0x0  }
0x4a: {  	[sflag:s19] =	ssyncadd.s32 $0xFFFFCE00  }
0x4b: {  	[spmem:s3] =	stream.indirect.scatter.add.f32 [tilespmem:s15], [sflag:$0x3], $0x80, s21, s12, $0xb8;
	[tilespmem:$0x1F540] =	vst v63  }
0x4c: {  	_ =	swait.ge [sflag:s10], $0x3200  }
0x4d: {  	s22 =	sadd.s32 $0x1, s22;
	[sflag:s10] =	ssyncset.done $0x0  }
0x4e: {  	p0 =	sne.s32 s22, s9;
	[sflag:s10] =	ssyncadd.s32 $0xFFFFCE00  }
.Ltmp1:
0x4f: {  	[bflag:$0x0] =	sbarrier.arrive $0xFFFF;
	(pc) =	sbr.rel @p0 .LBB2_1-.Ltmp1, $4  }
0x50: {  	[hbm:s8], [sflag:s16] =	dma.local [spmem:s17], $0x2800  }
0x51: {  	_ =	swait.ge [sflag:s10], $0x2800  }
0x52: {  	[sflag:s10] =	ssyncset.done $0x0  }
0x53: {  	[sflag:s10] =	ssyncadd.s32 $0xFFFFD800  }
0x54: {  	_ =	sfence.sel $0x180000  }
0x55: {  	[bflag:$0x0] =	sbarrier.arrive $0xFFFF  }
0x56: {  	p0 =	sne.s32 s0, $0x0;
	_ =	strace $0x9000004A  }
0x57: {  	s0 =	sadd.s32 @!p0 $0x100000, s2;
	[bflag:$0x2] =	sbarrier.arrive $0xFFFF  }
0x58: {  	[sflag:s0] =	ssyncadd.tile.s32 @!p0 $0x1;
	_ =	shalt  }
.Lfunc_end2:
_tile_overlayer_lowered:
.L_overlay_start_2:
0x59: {  	(tag) =	ssettag $0x2  }
0x5a: {  	s0 =	rddreg [dreg:$0x0];
	s2 =	stileid.u32  }
0x5b: {  	s1 =	rddreg [dreg:$0x1];
	p0 =	sne.s32 s2, $0x0  }
0x5c: {  	s3 =	rddreg [dreg:$0x2];
	[bflag:$0x3] =	sbarrier.arrive $0xFFFF;
	s2 =	simm.s32 @!p0 $0x1C03  }
0x5d: {  	[timem:s3], [sflag:s2] =	dma.local @!p0 [hbm:s0], s1  }
0x5e: {  	s0 =	simm.s32 @!p0 $0x3  }
0x5f: {  	_ =	swait.ge @!p0 [sflag:s0], s1  }
0x60: {  	s1 =	ssub.s32 @!p0 $0x0, s1;
	[sflag:s0] =	ssyncset.done @!p0 $0x0  }
0x61: {  	[sflag:s0] =	ssyncadd.s32 @!p0 s1  }
0x62: {  	[bflag:$0x3] =	sbarrier.arrive $0xFFFF  }
0x63: {  	_ =	shalt  }

// kernel: kernel.16.cloned.1.call-start
scs
__scs_entry_jumppad:
0x0: {  	(pc) =	sbr.rel $0x88, $3  }
0x1: {  	(tag) =	ssettag $0x0;
	lr =	simm.s32 $0x1  }
0x2: {  	[smem:$0x3F95] =	sst lr;
	_ =	strace $0xD0000000  }
0x3: {  	_ = 	snop  }
0x4: {  	_ = 	snop  }
0x5: {  	_ = 	snop  }
0x6: {  	_ = 	snop  }
0x7: {  	_ = 	snop  }
__scs_overlays_trampoline_lowered:
0x8: {  	[smem:$0x3FA4] =	sst s0  }
0x9: {  	[smem:$0x3FA5] =	sst s1  }
0xa: {  	[smem:$0x3FA6] =	sst s2  }
0xb: {  	[smem:$0x3FA7] =	sst s3  }
0xc: {  	[smem:$0x3FA8] =	sst s4  }
0xd: {  	[smem:$0x3FA9] =	sst s5  }
0xe: {  	[smem:$0x3FAA] =	sst s6  }
0xf: {  	[smem:$0x3FAB] =	sst s7  }
0x10: {  	[smem:$0x3FAC] =	sst s8  }
0x11: {  	[smem:$0x3FAD] =	sst s9;
	s0 =	simm.s32 @!p0 $0x0  }
0x12: {  	s1 =	sld [smem:$0x3F93];
	s0 =	simm.s32 @p0 $0x1  }
0x13: {  	[smem:$0x3FAE] =	sst s0;
	s0 =	simm.s32 @!p1 $0x0  }
0x14: {  	s2 =	sld [smem:$0x3F92];
	s0 =	simm.s32 @p1 $0x1  }
0x15: {  	[smem:$0x3FAF] =	sst s0;
	s0 =	simm.s32 @!p2 $0x0  }
0x16: {  	s3 =	sld [smem:$0x3FDB];
	s0 =	simm.s32 @p2 $0x1  }
0x17: {  	s4 =	simm.s32 $0x1BF5;
	[smem:$0x3FB1] =	sst s0  }
0x18: {  	s0 =	sld [smem:$0x3F94];
	_ =	swait.ge [sflag:s4], $0x0  }
0x19: {  	s7 =	sld [smem:$0x3F95]  }
0x1a: {  	s8 =	sadd.s32 $0xFFFFE003, lr  }
0x1b: {  	s9 =	sadd.s32 $0xFFFFFEF7, lr;
	s5 =	simm.s32 $0xFFFFFFFF;
	p2 =	slt.u32 s8, $0xFFFFF086  }
0x1c: {  	p1 =	slt.u32 s9, $0xF7A;
	s5 =	simm.s32 @!p2 $0x0  }
0x1d: {  	s5 =	simm.s32 @p1 $0x1;
	p0 =	seq.s32 s7, s2  }
0x1e: {  	s7 =	smul.u32 @!p0 $0xF7A, s2;
	p2 =	seq.s32 @!p0 s5, $0x0  }
0x1f: {  	s9 =	smul.u32 $0xF7A, s1;
	s8 =	simm.s32 @!p0 $0x1BF5;
	p2 =	por !p2, p0  }
0x20: {  	[sflag:s8] =	ssyncset.s32 @!p0 $0xFFFFF086;
	s6 =	sadd.s32 @!p0 s3, s7;
	s7 =	simm.s32 @!p0 $0x108  }
0x21: {  	s3 =	sadd.s32 s3, s9;
	s6 =	sadd.s32 @!p0 $0x88, s6;
	s7 =	simm.s32 @p2 $0x1082  }
0x22: {  	[simem:s7], [sflag:s8] =	dma.local @!p0 [hbm:s6], $0xF7A  }
0x23: {  	s9 =	sor.u32 $0xD0000000, s2;
	s6 =	simm.s32 $0x108;
	_ =	swait.ge @!p0 [sflag:s8], $0x0  }
0x24: {  	s3 =	sadd.s32 $0x88, s3;
	s6 =	simm.s32 @!p1 $0x1082;
	[sflag:s4] =	ssyncset.s32 $0xFFFFF086  }
0x25: {  	[simem:s6], [sflag:s4] =	dma.local [hbm:s3], $0xF7A  }
0x26: {  	[smem:$0x3F95] =	sst s1;
	(tag) =	ssettag s2;
	_ =	strace s9  }
0x27: {  	s1 =	sld [smem:$0x3FA5]  }
0x28: {  	s2 =	sld [smem:$0x3FA6]  }
0x29: {  	s4 =	sld [smem:$0x3FA8]  }
0x2a: {  	p0 =	seq.s32 s5, $0x0;
	s5 =	sld [smem:$0x3FA9]  }
0x2b: {  	s6 =	sld [smem:$0x3FAA]  }
0x2c: {  	s7 =	sld [smem:$0x3FAB]  }
0x2d: {  	s3 =	simm.s32 $0x108;
	s8 =	sld [smem:$0x3FAC]  }
0x2e: {  	s3 =	simm.s32 @!p0 $0x1082;
	s9 =	sld [smem:$0x3FAD]  }
0x2f: {  	lr =	sadd.s32 s0, s3;
	s0 =	sld [smem:$0x3FA4]  }
0x30: {  	s3 =	sld [smem:$0x3FA7]  }
0x31: {  	[smem:$0x3FB0] =	sst s10  }
0x32: {  	s10 =	sld [smem:$0x3FAE];
	_ =	sdelay $0x3  }
0x33: {  	p0 =	seq.s32 s10, $0x1;
	s10 =	sld [smem:$0x3FB0];
	_ =	sdelay $0x3  }
0x34: {  	[smem:$0x3FB0] =	sst s10  }
0x35: {  	s10 =	sld [smem:$0x3FAF];
	_ =	sdelay $0x3  }
0x36: {  	p1 =	seq.s32 s10, $0x1;
	s10 =	sld [smem:$0x3FB0];
	_ =	sdelay $0x3  }
0x37: {  	[smem:$0x3FB0] =	sst s10  }
0x38: {  	s10 =	sld [smem:$0x3FB1]  }
0x39: {  	_ = 	snop;
	(pc) =	sbr.ind lr, $3  }
0x3a: {  	_ = 	snop  }
0x3b: {  	_ = 	snop  }
0x3c: {  	p2 =	seq.s32 s10, $0x1;
	s10 =	sld [smem:$0x3FB0]  }
0x3d: {  	_ =	shalt  }
0x3e: {  	_ =	shalt  }
0x3f: {  	_ =	shalt  }
0x40: {  	_ =	shalt  }
0x41: {  	_ =	shalt  }
0x42: {  	_ =	shalt  }
0x43: {  	_ =	shalt  }
0x44: {  	_ =	shalt  }
0x45: {  	_ =	shalt  }
0x46: {  	_ =	shalt  }
0x47: {  	_ =	shalt  }
0x48: {  	_ =	shalt  }
0x49: {  	_ =	shalt  }
0x4a: {  	_ =	shalt  }
0x4b: {  	_ =	shalt  }
0x4c: {  	_ =	shalt  }
0x4d: {  	_ =	shalt  }
0x4e: {  	_ =	shalt  }
0x4f: {  	_ =	shalt  }
0x50: {  	_ =	shalt  }
0x51: {  	_ =	shalt  }
0x52: {  	_ =	shalt  }
0x53: {  	_ =	shalt  }
0x54: {  	_ =	shalt  }
0x55: {  	_ =	shalt  }
0x56: {  	_ =	shalt  }
0x57: {  	_ =	shalt  }
0x58: {  	_ =	shalt  }
0x59: {  	_ =	shalt  }
0x5a: {  	_ =	shalt  }
0x5b: {  	_ =	shalt  }
0x5c: {  	_ =	shalt  }
0x5d: {  	_ =	shalt  }
0x5e: {  	_ =	shalt  }
0x5f: {  	_ =	shalt  }
0x60: {  	_ =	shalt  }
0x61: {  	_ =	shalt  }
0x62: {  	_ =	shalt  }
0x63: {  	_ =	shalt  }
0x64: {  	_ =	shalt  }
0x65: {  	_ =	shalt  }
0x66: {  	_ =	shalt  }
0x67: {  	_ =	shalt  }
0x68: {  	_ =	shalt  }
0x69: {  	_ =	shalt  }
0x6a: {  	_ =	shalt  }
0x6b: {  	_ =	shalt  }
0x6c: {  	_ =	shalt  }
0x6d: {  	_ =	shalt  }
0x6e: {  	_ =	shalt  }
0x6f: {  	_ =	shalt  }
0x70: {  	_ =	shalt  }
0x71: {  	_ =	shalt  }
0x72: {  	_ =	shalt  }
0x73: {  	_ =	shalt  }
0x74: {  	_ =	shalt  }
0x75: {  	_ =	shalt  }
0x76: {  	_ =	shalt  }
0x77: {  	_ =	shalt  }
0x78: {  	_ =	shalt  }
0x79: {  	_ =	shalt  }
0x7a: {  	_ =	shalt  }
0x7b: {  	_ =	shalt  }
0x7c: {  	_ =	shalt  }
0x7d: {  	_ =	shalt  }
0x7e: {  	_ =	shalt  }
0x7f: {  	_ =	shalt  }
0x80: {  	_ =	shalt  }
0x81: {  	_ =	shalt  }
0x82: {  	_ =	shalt  }
0x83: {  	_ =	shalt  }
0x84: {  	_ =	shalt  }
0x85: {  	_ =	shalt  }
0x86: {  	_ =	shalt  }
0x87: {  	_ =	shalt  }
.Lfunc_end0:
.L_simem_size_0:
called_computation.1_lowered:
.L_overlay_start_0:
0x88: {  	s2 =	sld [smem:$0x3FD9]  }
0x89: {  	s3 =	sld [smem:$0x3FFE];
	_ =	sdelay $0x1  }
0x8a: {  	s1 =	srdreg.scid  }
0x8b: {  	s0 =	sand.u32 $0x1, s1  }
0x8c: {  	s16 =	sshll.u32 s0, $0xA;
	s2 =	sadd.s32 s3, s2  }
0x8d: {  	s2 =	sadd.s32 s2, s16  }
0x8e: {  	[smem:$0x3FBC] =	sst s2  }
0x8f: {  	_ = 	snop  }
0x90: {  	(tm) =	ssettm $0x1  }
0x91: {  	s17 =	sld [smem:$0x3FFB];
	_ =	sdelay $0x3  }
0x92: {  	_ =	strace s17  }
0x93: {  	s2 =	sld [smem:$0x3FFC];
	_ =	sdelay $0x3  }
0x94: {  	_ =	strace s2  }
0x95: {  	s2 =	sld [smem:$0x3FFD];
	_ =	sdelay $0x3  }
0x96: {  	_ =	strace s2  }
0x97: {  	_ =	strace $0x8FFFFFFF  }
0x98: {  	s18 =	sld [smem:$0x3FDB];
	_ =	sdelay $0x1  }
0x99: {  	s19 =	simm.s32 $_scs_section_size  }
0x9a: {  	s4 =	simm.s32 $_size__tile_overlayer_lowered;
	s5 =	simm.s32 $_tile_overlayer_lowered  }
0x9b: {  	s22 =	simm.s32 $0x1BFF;
	s21 =	sshll.u32 s5, $0x1;
	s2 =	sadd.s32 s19, s18  }
0x9c: {  	s6 =	simm.s32 $0x0;
	s20 =	sshll.u32 s4, $0x1;
	s4 =	sadd.s32 s21, s2  }
0x9d: {  	[timem:s6], [sflag:s22] =	dma.local [hbm:s4], s20  }
0x9e: {  	_ =	swait.ge [sflag:s22], s20  }
0x9f: {  	s3 =	ssub.s32 $0x0, s20;
	[sflag:s22] =	ssyncset.done $0x0  }
0xa0: {  	[sflag:s22] =	ssyncadd.s32 s3;
	_ =	sdelay $0x1  }
0xa1: {  	s23 =	simm.s32 $0x1B8B  }
0xa2: {  	_ =	swait.ge [sflag:s23], $0x1  }
0xa3: {  	[sflag:s23] =	ssyncset.done $0x0  }
0xa4: {  	s25 =	simm.s32 $0x1B8E;
	s24 =	sld [smem:$0x3FFE];
	[sflag:s23] =	ssyncadd.s32 $0xFFFFFFFF  }
0xa5: {  	s26 =	simm.s32 $execute0_lowered;
	[smem:$0x3FD2] =	sst s25  }
0xa6: {  	s4 =	sshll.u32 s26, $0x1;
	_ =	strace $0x80000046;
	[dreg:$0x1] =	wrdreg $0xFFFFFFFF  }
0xa7: {  	s28 =	simm.s32 $_size_execute0_lowered;
	s2 =	sadd.s32 s2, s4;
	[dreg:$0x0] =	wrdreg $0x0  }
0xa8: {  	s4 =	sshll.u32 s28, $0x1;
	[dreg:$0x2] =	wrdreg s2  }
0xa9: {  	[dreg:$0x3] =	wrdreg s4  }
0xaa: {  	[dreg:$0x4] =	wrdreg $0xC0  }
0xab: {  	_ =	task [dreg:s6], $0x5FFFF  }
0xac: {  	[dreg:$0x1] =	wrdreg $0xFFFFFFFF  }
0xad: {  	[dreg:$0x0] =	wrdreg $0x60  }
0xae: {  	[dreg:$0x2] =	wrdreg s24  }
0xaf: {  	[dreg:$0x3] =	wrdreg $0x2EE00  }
0xb0: {  	[dreg:$0x4] =	wrdreg $0xA  }
0xb1: {  	_ =	task.clear_ibuf [dreg:s6], $0x5FFFF;
	_ =	strace $0x90000046  }
0xb2: {  	s29 =	simm.s32 $0xA;
	_ =	strace $0x80000048  }
0xb3: {  	_ =	swait.ge [sflag:s29], $0x1  }
0xb4: {  	[sflag:s29] =	ssyncadd.s32 $0xFFFFFFFF  }
0xb5: {  	_ =	strace $0x90000048  }
0xb6: {  	_ =	sfence  }
0xb7: {  	s30 =	sld [smem:$0x0];
	_ =	sdelay $0x2  }
0xb8: {  	s31 =	sshll.u32 s1, $0xD;
	s1 =	sshrl.u32 s1, $0x2  }
0xb9: {  	s3 =	sand.u32 $0x4000, s31;
	s1 =	sadd.s32 s1, s30  }
0xba: {  	s0 =	sor.u32 s3, s0;
	s1 =	sshll.u32 s1, $0x11  }
0xbb: {  	s0 =	sor.u32 s1, s0  }
0xbc: {  	s0 =	sadd.s32 $0x8F2B, s0  }
0xbd: {  	[sflag:s0] =	ssyncadd.remote.s32 $0x1  }
0xbe: {  	_ =	sfence.sel $0xFFFF  }
0xbf: {  	[dreg:$0x0] =	wrdreg $0xFFFFFFFF;
	(pc) =	sbr.abs _section_cstart, $3  }
0xc0: {  	[dreg:$0x1] =	wrdreg $0xFFFFFFFF  }
0xc1: {  	_ =	task.clear_ibuf [dreg:s6], $0x2FFFF;
	_ =	strace $0x9FFFFFFF  }
0xc2: {  	(tm) =	ssettm $0x7FFFFFFF  }
0xc3: {  	_ =	shalt  }
tec
execute0_lowered:
.L_overlay_start_1:
0x0: {  	(tag) =	ssettag $0x1  }
0x1: {  	s1 =	srdreg.scid  }
0x2: {  	s0 =	stileid.u32;
	s6 =	rddreg [dreg:$0x0]  }
0x3: {  	s2 =	rddreg [dreg:$0x1];
	s3 =	simm.s32 $0x0;
	s15 =	simm.s32 $0x64  }
0x4: {  	s16 =	simm.s32 $0x0;
	s5 =	sand.u32 $0x1, s1;
	s31 =	sshll.u32 s0, $0x1  }
0x5: {  	s7 =	smul.u32 $0x2800, s0;
	[smem:$0x7FF] =	sst s3;
	s13 =	sshll.u32 s0, $0x6  }
0x6: {  	s1 =	sor.u32 s5, s31;
	s8 =	smul.u32 $0x28000, s5;
	s10 =	ssub.s32 $0x2, s5  }
0x7: {  	s5 =	sadd.s32 $0x18200, s6;
	s13 =	sor.u32 $0x1C01, s13;
	s4 =	smul.u32 $0x514, s1  }
0x8: {  	s1 =	rddreg [dreg:$0x2];
	_ =	strace $0x80000047;
	s11 =	sshrl.u32 s10, $0x1  }
0x9: {  	s14 =	sadd.s32 s7, s2;
	s8 =	sadd.s32 s7, s8;
	s10 =	ssub.s32 s10, s11  }
0xa: {  	s11 =	simm.s32 $0x28A0;
	s14 =	sshrl.u32 s14, $0x3;
	s9 =	sadd.s32 s4, s6  }
0xb: {  	s4 =	sadd.s32 $0x17C00, s6;
	s8 =	sshrl.u32 s8, $0x3;
	s10 =	smax.u32 s10, $0x1  }
0xc: {  	s12 =	sadd.s32 s8, s6;
	s6 =	sadd.s32 $0x3400, s9;
	s8 =	sadd.s32 $0xD800, s9  }
0xd: {  	s7 =	sadd.s32 $0x18400, s12;
	s9 =	sadd.s32 $0x22400, s12;
	s12 =	simm.s32 $0x1  }
.LBB2_1:
0xe: {  	[tilespmem:s11], [sflag:$0x1] =	stream.linear.gather [hbm4b:s5+s3], $0x640, $0x38;
	[tilespmem:$0x56E0] =	vst v63  }
0xf: {  	_ =	swait.ge [sflag:s12], $0x640  }
0x10: {  	[sflag:s12] =	ssyncset.done $0x0  }
0x11: {  	[sflag:s12] =	ssyncadd.s32 $0xFFFFF9C0  }
0x12: {  	[tilespmem:s3], [sflag:$0x1] =	stream.linear.gather [hbm4b:s6+s3], $0x28A0, $0x38;
	[tilespmem:$0x56E0] =	vst v63  }
0x13: {  	_ =	swait.ge [sflag:s12], $0x28A0  }
0x14: {  	[sflag:s12] =	ssyncset.done $0x0  }
0x15: {  	[sflag:s12] =	ssyncadd.s32 $0xFFFFD760  }
0x16: {  	[spmem:s14], [sflag:s13] =	dma.local [hbm:s4], $0x500  }
0x17: {  	_ =	swait.ge [sflag:s12], $0x500  }
0x18: {  	[sflag:s12] =	ssyncset.done $0x0  }
0x19: {  	[sflag:s12] =	ssyncadd.s32 $0xFFFFFB00  }
0x1a: {  	s17 =	simm.s32 $0x0;
	[bflag:$0x0] =	sbarrier.arrive $0xFFFF  }
0x1b: {  	[spmem:s2] =	stream.indirect.scatter.add.f32 [tilespmem:s11], [sflag:$0x1], $0x10, s17, s15, $0xb8;
	[tilespmem:$0x56E0] =	vst v63  }
0x1c: {  	_ =	swait.ge [sflag:s12], $0x640  }
0x1d: {  	s17 =	simm.s32 $0x1A0;
	[sflag:s12] =	ssyncset.done $0x0  }
.LBB2_2:
0x1e: {  	s18 =	sshra.s32 s17, $0x2;
	[sflag:s12] =	ssyncadd.s32 $0xFFFFF9C0;
	p0 =	sne.s32 s17, $0xA0E0  }
0x1f: {  	[spmem:s2] =	stream.indirect.scatter.add.f32 [tilespmem:s11], [sflag:$0x1], $0x10, s18, s15, $0xb8;
	[tilespmem:$0x56E0] =	vst v63  }
.Ltmp0:
0x20: {  	_ = 	snop;
	(pc) =	sbr.rel @p0 .LBB2_2-.Ltmp0, $4  }
0x21: {  	_ = 	snop  }
0x22: {  	s17 =	sadd.s32 $0x1A0, s17  }
0x23: {  	_ =	swait.ge [sflag:s12], $0x640  }
0x24: {  	[sflag:s12] =	ssyncset.done $0x0  }
0x25: {  	[sflag:s12] =	ssyncadd.s32 $0xFFFFF9C0  }
0x26: {  	[bflag:$0x0] =	sbarrier.arrive $0xFFFF  }
0x27: {  	[hbm:s7], [sflag:s13] =	dma.local [spmem:s14], $0x500  }
0x28: {  	_ =	swait.ge [sflag:s12], $0x500  }
0x29: {  	[sflag:s12] =	ssyncset.done $0x0  }
0x2a: {  	[sflag:s12] =	ssyncadd.s32 $0xFFFFFB00  }
0x2b: {  	s17 =	simm.s32 $0x0;
	[bflag:$0x0] =	sbarrier.arrive $0xFFFF  }
0x2c: {  	[tilespmem:s17], [sflag:$0x1] =	stream.linear.gather [hbm4b:s8+s17], $0x28A0, $0x38;
	[tilespmem:$0x56E0] =	vst v63  }
0x2d: {  	_ =	swait.ge [sflag:s12], $0x28A0  }
0x2e: {  	[sflag:s12] =	ssyncset.done $0x0  }
0x2f: {  	[sflag:s12] =	ssyncadd.s32 $0xFFFFD760  }
0x30: {  	[spmem:s14], [sflag:s13] =	dma.local [hbm:s4], $0x500  }
0x31: {  	_ =	swait.ge [sflag:s12], $0x500  }
0x32: {  	[sflag:s12] =	ssyncset.done $0x0  }
0x33: {  	[sflag:s12] =	ssyncadd.s32 $0xFFFFFB00  }
0x34: {  	s31 =	simm.s32 $0x0;
	[bflag:$0x0] =	sbarrier.arrive $0xFFFF  }
0x35: {  	[spmem:s2] =	stream.indirect.scatter.add.f32 [tilespmem:s11], [sflag:$0x1], $0x10, s31, s15, $0xb8;
	[tilespmem:$0x56E0] =	vst v63  }
0x36: {  	_ =	swait.ge [sflag:s12], $0x640  }
0x37: {  	s17 =	simm.s32 $0x1A0;
	[sflag:s12] =	ssyncset.done $0x0  }
.LBB2_4:
0x38: {  	s18 =	sshra.s32 s17, $0x2;
	[sflag:s12] =	ssyncadd.s32 $0xFFFFF9C0;
	p0 =	sne.s32 s17, $0xA0E0  }
0x39: {  	[spmem:s2] =	stream.indirect.scatter.add.f32 [tilespmem:s11], [sflag:$0x1], $0x10, s18, s15, $0xb8;
	[tilespmem:$0x56E0] =	vst v63  }
.Ltmp1:
0x3a: {  	_ = 	snop;
	(pc) =	sbr.rel @p0 .LBB2_4-.Ltmp1, $4  }
0x3b: {  	_ = 	snop  }
0x3c: {  	s17 =	sadd.s32 $0x1A0, s17  }
0x3d: {  	_ =	swait.ge [sflag:s12], $0x640  }
0x3e: {  	[sflag:s12] =	ssyncset.done $0x0  }
0x3f: {  	[sflag:s12] =	ssyncadd.s32 $0xFFFFF9C0;
	s16 =	sadd.s32 $0x1, s16  }
0x40: {  	[bflag:$0x0] =	sbarrier.arrive $0xFFFF;
	p0 =	sne.s32 s16, s10  }
0x41: {  	[hbm:s9], [sflag:s13] =	dma.local [spmem:s14], $0x500  }
.Ltmp2:
0x42: {  	_ =	swait.ge [sflag:s12], $0x500;
	(pc) =	sbr.rel @p0 .LBB2_1-.Ltmp2, $3  }
0x43: {  	[sflag:s12] =	ssyncset.done $0x0  }
0x44: {  	[sflag:s12] =	ssyncadd.s32 $0xFFFFFB00  }
0x45: {  	[bflag:$0x0] =	sbarrier.arrive $0xFFFF;
	_ =	sdelay $0x1  }
0x46: {  	_ =	sfence.sel $0x180000  }
0x47: {  	[bflag:$0x0] =	sbarrier.arrive $0xFFFF  }
0x48: {  	p0 =	sne.s32 s0, $0x0;
	_ =	strace $0x90000047  }
0x49: {  	s0 =	sadd.s32 @!p0 $0x100000, s1;
	[bflag:$0x2] =	sbarrier.arrive $0xFFFF  }
0x4a: {  	[sflag:s0] =	ssyncadd.tile.s32 @!p0 $0x1;
	_ =	shalt  }
.Lfunc_end2:
_tile_overlayer_lowered:
.L_overlay_start_2:
0x4b: {  	(tag) =	ssettag $0x2  }
0x4c: {  	s0 =	rddreg [dreg:$0x0];
	s2 =	stileid.u32  }
0x4d: {  	s1 =	rddreg [dreg:$0x1];
	p0 =	sne.s32 s2, $0x0  }
0x4e: {  	s3 =	rddreg [dreg:$0x2];
	[bflag:$0x3] =	sbarrier.arrive $0xFFFF;
	s2 =	simm.s32 @!p0 $0x1C01  }
0x4f: {  	[timem:s3], [sflag:s2] =	dma.local @!p0 [hbm:s0], s1  }
0x50: {  	s0 =	simm.s32 @!p0 $0x1  }
0x51: {  	_ =	swait.ge @!p0 [sflag:s0], s1  }
0x52: {  	s1 =	ssub.s32 @!p0 $0x0, s1;
	[sflag:s0] =	ssyncset.done @!p0 $0x0  }
0x53: {  	[sflag:s0] =	ssyncadd.s32 @!p0 s1  }
0x54: {  	[bflag:$0x3] =	sbarrier.arrive $0xFFFF  }
0x55: {  	_ =	shalt  }

// kernel: kernel.19.cloned.1.call-start
scs
__scs_entry_jumppad:
0x0: {  	(pc) =	sbr.rel $0x88, $3  }
0x1: {  	(tag) =	ssettag $0x0;
	lr =	simm.s32 $0x1  }
0x2: {  	[smem:$0x3F95] =	sst lr;
	_ =	strace $0xD0000000  }
0x3: {  	_ = 	snop  }
0x4: {  	_ = 	snop  }
0x5: {  	_ = 	snop  }
0x6: {  	_ = 	snop  }
0x7: {  	_ = 	snop  }
__scs_overlays_trampoline_lowered:
0x8: {  	[smem:$0x3FA4] =	sst s0  }
0x9: {  	[smem:$0x3FA5] =	sst s1  }
0xa: {  	[smem:$0x3FA6] =	sst s2  }
0xb: {  	[smem:$0x3FA7] =	sst s3  }
0xc: {  	[smem:$0x3FA8] =	sst s4  }
0xd: {  	[smem:$0x3FA9] =	sst s5  }
0xe: {  	[smem:$0x3FAA] =	sst s6  }
0xf: {  	[smem:$0x3FAB] =	sst s7  }
0x10: {  	[smem:$0x3FAC] =	sst s8  }
0x11: {  	[smem:$0x3FAD] =	sst s9;
	s0 =	simm.s32 @!p0 $0x0  }
0x12: {  	s1 =	sld [smem:$0x3F93];
	s0 =	simm.s32 @p0 $0x1  }
0x13: {  	[smem:$0x3FAE] =	sst s0;
	s0 =	simm.s32 @!p1 $0x0  }
0x14: {  	s2 =	sld [smem:$0x3F92];
	s0 =	simm.s32 @p1 $0x1  }
0x15: {  	[smem:$0x3FAF] =	sst s0;
	s0 =	simm.s32 @!p2 $0x0  }
0x16: {  	s3 =	sld [smem:$0x3FDB];
	s0 =	simm.s32 @p2 $0x1  }
0x17: {  	s4 =	simm.s32 $0x1BF5;
	[smem:$0x3FB1] =	sst s0  }
0x18: {  	s0 =	sld [smem:$0x3F94];
	_ =	swait.ge [sflag:s4], $0x0  }
0x19: {  	s7 =	sld [smem:$0x3F95]  }
0x1a: {  	s8 =	sadd.s32 $0xFFFFE003, lr  }
0x1b: {  	s9 =	sadd.s32 $0xFFFFFEF7, lr;
	s5 =	simm.s32 $0xFFFFFFFF;
	p2 =	slt.u32 s8, $0xFFFFF086  }
0x1c: {  	p1 =	slt.u32 s9, $0xF7A;
	s5 =	simm.s32 @!p2 $0x0  }
0x1d: {  	s5 =	simm.s32 @p1 $0x1;
	p0 =	seq.s32 s7, s2  }
0x1e: {  	s7 =	smul.u32 @!p0 $0xF7A, s2;
	p2 =	seq.s32 @!p0 s5, $0x0  }
0x1f: {  	s9 =	smul.u32 $0xF7A, s1;
	s8 =	simm.s32 @!p0 $0x1BF5;
	p2 =	por !p2, p0  }
0x20: {  	[sflag:s8] =	ssyncset.s32 @!p0 $0xFFFFF086;
	s6 =	sadd.s32 @!p0 s3, s7;
	s7 =	simm.s32 @!p0 $0x108  }
0x21: {  	s3 =	sadd.s32 s3, s9;
	s6 =	sadd.s32 @!p0 $0x88, s6;
	s7 =	simm.s32 @p2 $0x1082  }
0x22: {  	[simem:s7], [sflag:s8] =	dma.local @!p0 [hbm:s6], $0xF7A  }
0x23: {  	s9 =	sor.u32 $0xD0000000, s2;
	s6 =	simm.s32 $0x108;
	_ =	swait.ge @!p0 [sflag:s8], $0x0  }
0x24: {  	s3 =	sadd.s32 $0x88, s3;
	s6 =	simm.s32 @!p1 $0x1082;
	[sflag:s4] =	ssyncset.s32 $0xFFFFF086  }
0x25: {  	[simem:s6], [sflag:s4] =	dma.local [hbm:s3], $0xF7A  }
0x26: {  	[smem:$0x3F95] =	sst s1;
	(tag) =	ssettag s2;
	_ =	strace s9  }
0x27: {  	s1 =	sld [smem:$0x3FA5]  }
0x28: {  	s2 =	sld [smem:$0x3FA6]  }
0x29: {  	s4 =	sld [smem:$0x3FA8]  }
0x2a: {  	p0 =	seq.s32 s5, $0x0;
	s5 =	sld [smem:$0x3FA9]  }
0x2b: {  	s6 =	sld [smem:$0x3FAA]  }
0x2c: {  	s7 =	sld [smem:$0x3FAB]  }
0x2d: {  	s3 =	simm.s32 $0x108;
	s8 =	sld [smem:$0x3FAC]  }
0x2e: {  	s3 =	simm.s32 @!p0 $0x1082;
	s9 =	sld [smem:$0x3FAD]  }
0x2f: {  	lr =	sadd.s32 s0, s3;
	s0 =	sld [smem:$0x3FA4]  }
0x30: {  	s3 =	sld [smem:$0x3FA7]  }
0x31: {  	[smem:$0x3FB0] =	sst s10  }
0x32: {  	s10 =	sld [smem:$0x3FAE];
	_ =	sdelay $0x3  }
0x33: {  	p0 =	seq.s32 s10, $0x1;
	s10 =	sld [smem:$0x3FB0];
	_ =	sdelay $0x3  }
0x34: {  	[smem:$0x3FB0] =	sst s10  }
0x35: {  	s10 =	sld [smem:$0x3FAF];
	_ =	sdelay $0x3  }
0x36: {  	p1 =	seq.s32 s10, $0x1;
	s10 =	sld [smem:$0x3FB0];
	_ =	sdelay $0x3  }
0x37: {  	[smem:$0x3FB0] =	sst s10  }
0x38: {  	s10 =	sld [smem:$0x3FB1]  }
0x39: {  	_ = 	snop;
	(pc) =	sbr.ind lr, $3  }
0x3a: {  	_ = 	snop  }
0x3b: {  	_ = 	snop  }
0x3c: {  	p2 =	seq.s32 s10, $0x1;
	s10 =	sld [smem:$0x3FB0]  }
0x3d: {  	_ =	shalt  }
0x3e: {  	_ =	shalt  }
0x3f: {  	_ =	shalt  }
0x40: {  	_ =	shalt  }
0x41: {  	_ =	shalt  }
0x42: {  	_ =	shalt  }
0x43: {  	_ =	shalt  }
0x44: {  	_ =	shalt  }
0x45: {  	_ =	shalt  }
0x46: {  	_ =	shalt  }
0x47: {  	_ =	shalt  }
0x48: {  	_ =	shalt  }
0x49: {  	_ =	shalt  }
0x4a: {  	_ =	shalt  }
0x4b: {  	_ =	shalt  }
0x4c: {  	_ =	shalt  }
0x4d: {  	_ =	shalt  }
0x4e: {  	_ =	shalt  }
0x4f: {  	_ =	shalt  }
0x50: {  	_ =	shalt  }
0x51: {  	_ =	shalt  }
0x52: {  	_ =	shalt  }
0x53: {  	_ =	shalt  }
0x54: {  	_ =	shalt  }
0x55: {  	_ =	shalt  }
0x56: {  	_ =	shalt  }
0x57: {  	_ =	shalt  }
0x58: {  	_ =	shalt  }
0x59: {  	_ =	shalt  }
0x5a: {  	_ =	shalt  }
0x5b: {  	_ =	shalt  }
0x5c: {  	_ =	shalt  }
0x5d: {  	_ =	shalt  }
0x5e: {  	_ =	shalt  }
0x5f: {  	_ =	shalt  }
0x60: {  	_ =	shalt  }
0x61: {  	_ =	shalt  }
0x62: {  	_ =	shalt  }
0x63: {  	_ =	shalt  }
0x64: {  	_ =	shalt  }
0x65: {  	_ =	shalt  }
0x66: {  	_ =	shalt  }
0x67: {  	_ =	shalt  }
0x68: {  	_ =	shalt  }
0x69: {  	_ =	shalt  }
0x6a: {  	_ =	shalt  }
0x6b: {  	_ =	shalt  }
0x6c: {  	_ =	shalt  }
0x6d: {  	_ =	shalt  }
0x6e: {  	_ =	shalt  }
0x6f: {  	_ =	shalt  }
0x70: {  	_ =	shalt  }
0x71: {  	_ =	shalt  }
0x72: {  	_ =	shalt  }
0x73: {  	_ =	shalt  }
0x74: {  	_ =	shalt  }
0x75: {  	_ =	shalt  }
0x76: {  	_ =	shalt  }
0x77: {  	_ =	shalt  }
0x78: {  	_ =	shalt  }
0x79: {  	_ =	shalt  }
0x7a: {  	_ =	shalt  }
0x7b: {  	_ =	shalt  }
0x7c: {  	_ =	shalt  }
0x7d: {  	_ =	shalt  }
0x7e: {  	_ =	shalt  }
0x7f: {  	_ =	shalt  }
0x80: {  	_ =	shalt  }
0x81: {  	_ =	shalt  }
0x82: {  	_ =	shalt  }
0x83: {  	_ =	shalt  }
0x84: {  	_ =	shalt  }
0x85: {  	_ =	shalt  }
0x86: {  	_ =	shalt  }
0x87: {  	_ =	shalt  }
.Lfunc_end0:
.L_simem_size_0:
called_computation.2_lowered:
.L_overlay_start_0:
0x88: {  	s2 =	sld [smem:$0x3FD9]  }
0x89: {  	s3 =	sld [smem:$0x3FFE];
	_ =	sdelay $0x1  }
0x8a: {  	s1 =	srdreg.scid  }
0x8b: {  	s0 =	sand.u32 $0x1, s1  }
0x8c: {  	s17 =	sshll.u32 s0, $0xA;
	s2 =	sadd.s32 s3, s2  }
0x8d: {  	s2 =	sadd.s32 s2, s17  }
0x8e: {  	[smem:$0x3FBC] =	sst s2  }
0x8f: {  	_ = 	snop  }
0x90: {  	s2 =	sld [smem:$0x3FD0];
	(tm) =	ssettm $0x1  }
0x91: {  	s18 =	sld [smem:$0x3FFB];
	_ =	sdelay $0x3  }
0x92: {  	_ =	strace s18  }
0x93: {  	s3 =	sld [smem:$0x3FFC];
	_ =	sdelay $0x3  }
0x94: {  	_ =	strace s3  }
0x95: {  	s3 =	sld [smem:$0x3FFD];
	_ =	sdelay $0x3  }
0x96: {  	_ =	strace s3  }
0x97: {  	_ =	strace $0x8FFFFFFF  }
0x98: {  	s19 =	sld [smem:$0x3FDB];
	_ =	sdelay $0x1  }
0x99: {  	s4 =	simm.s32 $_scs_section_size  }
0x9a: {  	s5 =	simm.s32 $_size__tile_overlayer_lowered;
	s6 =	simm.s32 $_tile_overlayer_lowered  }
0x9b: {  	s22 =	simm.s32 $0x1BFF;
	s21 =	sshll.u32 s6, $0x1;
	s3 =	sadd.s32 s4, s19  }
0x9c: {  	s7 =	simm.s32 $0x0;
	s20 =	sshll.u32 s5, $0x1;
	s5 =	sadd.s32 s21, s3  }
0x9d: {  	[timem:s7], [sflag:s22] =	dma.local [hbm:s5], s20  }
0x9e: {  	_ =	swait.ge [sflag:s22], s20  }
0x9f: {  	s4 =	ssub.s32 $0x0, s20;
	[sflag:s22] =	ssyncset.done $0x0  }
0xa0: {  	[sflag:s22] =	ssyncadd.s32 s4;
	_ =	sdelay $0x1  }
0xa1: {  	s23 =	simm.s32 $0x1B8B  }
0xa2: {  	_ =	swait.ge [sflag:s23], $0x1  }
0xa3: {  	[sflag:s23] =	ssyncset.done $0x0  }
0xa4: {  	s25 =	simm.s32 $0x1B8E;
	s24 =	sld [smem:$0x3FFE];
	[sflag:s23] =	ssyncadd.s32 $0xFFFFFFFF  }
0xa5: {  	s26 =	simm.s32 $execute0_lowered;
	[smem:$0x3FD2] =	sst s25  }
0xa6: {  	s5 =	sshll.u32 s26, $0x1;
	_ =	strace $0x8000004C;
	[dreg:$0x1] =	wrdreg $0xFFFFFFFF  }
0xa7: {  	s28 =	simm.s32 $_size_execute0_lowered;
	s3 =	sadd.s32 s3, s5;
	[dreg:$0x0] =	wrdreg $0x0  }
0xa8: {  	s5 =	sshll.u32 s28, $0x1;
	[dreg:$0x2] =	wrdreg s3  }
0xa9: {  	[dreg:$0x3] =	wrdreg s5  }
0xaa: {  	[dreg:$0x4] =	wrdreg $0xC0  }
0xab: {  	_ =	task [dreg:s7], $0x5FFFF  }
0xac: {  	[dreg:$0x1] =	wrdreg $0xFFFFFFFF  }
0xad: {  	[dreg:$0x0] =	wrdreg $0x60  }
0xae: {  	[dreg:$0x2] =	wrdreg s2  }
0xaf: {  	[dreg:$0x3] =	wrdreg s24  }
0xb0: {  	[dreg:$0x4] =	wrdreg $0xB5400  }
0xb1: {  	[dreg:$0x5] =	wrdreg $0x9  }
0xb2: {  	_ =	task.clear_ibuf [dreg:s7], $0x6FFFF;
	_ =	strace $0x9000004C  }
0xb3: {  	s29 =	simm.s32 $0x9;
	_ =	strace $0x8000004E  }
0xb4: {  	_ =	swait.ge [sflag:s29], $0x1  }
0xb5: {  	[sflag:s29] =	ssyncadd.s32 $0xFFFFFFFF  }
0xb6: {  	_ =	strace $0x9000004E  }
0xb7: {  	_ =	sfence  }
0xb8: {  	s30 =	sld [smem:$0x0];
	_ =	sdelay $0x2  }
0xb9: {  	s31 =	sshll.u32 s1, $0xD;
	s1 =	sshrl.u32 s1, $0x2  }
0xba: {  	s3 =	sand.u32 $0x4000, s31;
	s1 =	sadd.s32 s1, s30  }
0xbb: {  	s0 =	sor.u32 s3, s0;
	s1 =	sshll.u32 s1, $0x11  }
0xbc: {  	s0 =	sor.u32 s1, s0  }
0xbd: {  	s0 =	sadd.s32 $0x8F2B, s0  }
0xbe: {  	[sflag:s0] =	ssyncadd.remote.s32 $0x1  }
0xbf: {  	_ =	sfence.sel $0xFFFF  }
0xc0: {  	[dreg:$0x0] =	wrdreg $0xFFFFFFFF;
	(pc) =	sbr.abs _section_cstart, $3  }
0xc1: {  	[dreg:$0x1] =	wrdreg $0xFFFFFFFF  }
0xc2: {  	_ =	task.clear_ibuf [dreg:s7], $0x2FFFF;
	_ =	strace $0x9FFFFFFF  }
0xc3: {  	(tm) =	ssettm $0x7FFFFFFF  }
tec
execute0_lowered:
.L_overlay_start_1:
0x0: {  	(tag) =	ssettag $0x1  }
0x1: {  	s1 =	rddreg [dreg:$0x0]  }
0x2: {  	s2 =	srdreg.scid;
	s6 =	rddreg [dreg:$0x1]  }
0x3: {  	s0 =	stileid.u32;
	s3 =	rddreg [dreg:$0x2];
	s4 =	simm.s32 $0x0  }
0x4: {  	s12 =	simm.s32 $0x64;
	s13 =	simm.s32 $0x5140;
	s14 =	simm.s32 $0x68  }
0x5: {  	s15 =	simm.s32 $0x8340;
	s18 =	simm.s32 $0x1;
	s19 =	simm.s32 $0x2  }
0x6: {  	s20 =	simm.s32 $0x5070;
	s21 =	simm.s32 $0x50D8;
	s22 =	simm.s32 $0x0  }
0x7: {  	s5 =	sand.u32 $0x1, s2;
	s31 =	sshll.u32 s0, $0x1;
	s8 =	smul.u32 $0x14000, s0  }
0x8: {  	[smem:$0x7FF] =	sst s4;
	s16 =	sshll.u32 s0, $0x6;
	s2 =	sor.u32 s5, s31  }
0x9: {  	s9 =	smul.u32 $0x140000, s5;
	s10 =	ssub.s32 $0x2, s5;
	s5 =	sadd.s32 $0x36800, s6  }
0xa: {  	s16 =	sor.u32 $0x1C03, s16;
	s7 =	smul.u32 $0x514, s2;
	s2 =	rddreg [dreg:$0x3]  }
0xb: {  	_ =	strace $0x8000004D;
	s11 =	sshrl.u32 s10, $0x1;
	s17 =	sadd.s32 s8, s3  }
0xc: {  	s9 =	sadd.s32 s8, s9;
	s10 =	ssub.s32 s10, s11;
	s11 =	simm.s32 $0x28A0  }
0xd: {  	s17 =	sshrl.u32 s17, $0x3;
	s7 =	sadd.s32 s7, s6;
	s9 =	sshrl.u32 s9, $0x3  }
0xe: {  	s9 =	sadd.s32 s9, s6;
	s6 =	sadd.s32 $0x89800, s7;
	s7 =	sadd.s32 $0xD800, s7  }
0xf: {  	s8 =	sadd.s32 $0x39000, s9;
	s9 =	smax.u32 s10, $0x1;
	s10 =	simm.s32 $0x3  }
.LBB2_1:
0x10: {  	[tilespmem:s4], [sflag:$0x3] =	stream.linear.gather [hbm4b:s6+s4], $0x28A0, $0x38;
	[tilespmem:$0x1F540] =	vst v63  }
0x11: {  	_ =	swait.ge [sflag:s10], $0x28A0  }
0x12: {  	[sflag:s10] =	ssyncset.done $0x0  }
0x13: {  	[sflag:s10] =	ssyncadd.s32 $0xFFFFD760  }
0x14: {  	[tilespmem:s11], [sflag:$0x3] =	stream.linear.gather [hbm4b:s7+s4], $0x28A0, $0x38;
	[tilespmem:$0x1F540] =	vst v63  }
0x15: {  	_ =	swait.ge [sflag:s10], $0x28A0  }
0x16: {  	[sflag:s10] =	ssyncset.done $0x0  }
0x17: {  	[sflag:s10] =	ssyncadd.s32 $0xFFFFD760  }
0x18: {  	[tilespmem:s13], [sflag:$0x1] =	stream.indirect.gather [hbm4b:s1+s12], $0x80, s4, s12, $0xb8;
	[tilespmem:$0x1F540] =	vst v63  }
0x19: {  	_ = 	snop  }
0x1a: {  	[tilespmem:s15], [sflag:$0x2] =	stream.indirect.gather [hbm4b:s1+s12], $0x80, s14, s12, $0xb8;
	[tilespmem:$0x1F540] =	vst v63  }
0x1b: {  	[spmem:s17], [sflag:s16] =	dma.local [hbm:s5], $0x2800  }
0x1c: {  	_ =	swait.ge [sflag:s10], $0x2800  }
0x1d: {  	[sflag:s10] =	ssyncset.done $0x0  }
0x1e: {  	[sflag:s10] =	ssyncadd.s32 $0xFFFFD800  }
0x1f: {  	[bflag:$0x0] =	sbarrier.arrive $0xFFFF  }
0x20: {  	_ =	swait.ge [sflag:s18], $0x3200  }
0x21: {  	[sflag:s18] =	ssyncset.done $0x0  }
0x22: {  	s23 =	simm.s32 $0x28A0;
	[sflag:s18] =	ssyncadd.s32 $0xFFFFCE00  }
0x23: {  	[spmem:s3] =	stream.indirect.scatter.add.f32 [tilespmem:s13], [sflag:$0x3], $0x80, s23, s12, $0xb8;
	[tilespmem:$0x1F540] =	vst v63  }
0x24: {  	_ =	swait.ge [sflag:s10], $0x3200  }
0x25: {  	[sflag:s10] =	ssyncset.done $0x0  }
0x26: {  	s30 =	simm.s32 $0xD0;
	[sflag:s10] =	ssyncadd.s32 $0xFFFFCE00  }
0x27: {  	[tilespmem:s13], [sflag:$0x1] =	stream.indirect.gather [hbm4b:s1+s12], $0x80, s30, s12, $0xb8;
	[tilespmem:$0x1F540] =	vst v63  }
0x28: {  	_ =	swait.ge [sflag:s19], $0x3200  }
0x29: {  	[sflag:s19] =	ssyncset.done $0x0  }
0x2a: {  	s31 =	simm.s32 $0x2908;
	[sflag:s19] =	ssyncadd.s32 $0xFFFFCE00  }
0x2b: {  	[spmem:s3] =	stream.indirect.scatter.add.f32 [tilespmem:s15], [sflag:$0x3], $0x80, s31, s12, $0xb8;
	[tilespmem:$0x1F540] =	vst v63  }
0x2c: {  	_ =	swait.ge [sflag:s10], $0x3200  }
0x2d: {  	[sflag:s10] =	ssyncset.done $0x0  }
0x2e: {  	s24 =	simm.s32 $0x138;
	s23 =	simm.s32 $0x340;
	[sflag:s10] =	ssyncadd.s32 $0xFFFFCE00  }
.LBB2_2:
0x2f: {  	[tilespmem:s15], [sflag:$0x2] =	stream.indirect.gather [hbm4b:s1+s12], $0x80, s24, s12, $0xb8;
	[tilespmem:$0x1F540] =	vst v63  }
0x30: {  	s24 =	smov.u32 s23  }
0x31: {  	p0 =	sne.s32 s23, $0x9C00;
	s23 =	sadd.s32 $0x340, s23;
	_ =	swait.ge [sflag:s18], $0x3200  }
0x32: {  	s24 =	sshra.s32 s24, $0x2;
	[sflag:s18] =	ssyncset.done $0x0  }
0x33: {  	s25 =	sadd.s32 $0x28A0, s24;
	[sflag:s18] =	ssyncadd.s32 $0xFFFFCE00  }
0x34: {  	[spmem:s3] =	stream.indirect.scatter.add.f32 [tilespmem:s13], [sflag:$0x3], $0x80, s25, s12, $0xb8;
	[tilespmem:$0x1F540] =	vst v63  }
0x35: {  	_ =	swait.ge [sflag:s10], $0x3200  }
0x36: {  	[sflag:s10] =	ssyncset.done $0x0  }
0x37: {  	s25 =	sadd.s32 $0xD0, s24;
	[sflag:s10] =	ssyncadd.s32 $0xFFFFCE00  }
0x38: {  	[tilespmem:s13], [sflag:$0x1] =	stream.indirect.gather [hbm4b:s1+s12], $0x80, s25, s12, $0xb8;
	[tilespmem:$0x1F540] =	vst v63  }
0x39: {  	_ =	swait.ge [sflag:s19], $0x3200  }
0x3a: {  	[sflag:s19] =	ssyncset.done $0x0  }
.Ltmp0:
0x3b: {  	s25 =	sadd.s32 $0x2908, s24;
	[sflag:s19] =	ssyncadd.s32 $0xFFFFCE00;
	(pc) =	sbr.rel @p0 .LBB2_2-.Ltmp0, $4  }
0x3c: {  	[spmem:s3] =	stream.indirect.scatter.add.f32 [tilespmem:s15], [sflag:$0x3], $0x80, s25, s12, $0xb8;
	[tilespmem:$0x1F540] =	vst v63  }
0x3d: {  	_ =	swait.ge [sflag:s10], $0x3200  }
0x3e: {  	[sflag:s10] =	ssyncset.done $0x0  }
0x3f: {  	s24 =	sadd.s32 $0x138, s24;
	[sflag:s10] =	ssyncadd.s32 $0xFFFFCE00  }
0x40: {  	[tilespmem:s15], [sflag:$0x2] =	stream.indirect.gather [hbm4b:s1+s12], $0x80, s24, s12, $0xb8;
	[tilespmem:$0x1F540] =	vst v63  }
0x41: {  	_ =	swait.ge [sflag:s18], $0x3200  }
0x42: {  	[sflag:s18] =	ssyncset.done $0x0  }
0x43: {  	[sflag:s18] =	ssyncadd.s32 $0xFFFFCE00  }
0x44: {  	[spmem:s3] =	stream.indirect.scatter.add.f32 [tilespmem:s13], [sflag:$0x3], $0x80, s20, s12, $0xb8;
	[tilespmem:$0x1F540] =	vst v63  }
0x45: {  	_ =	swait.ge [sflag:s10], $0x3200  }
0x46: {  	[sflag:s10] =	ssyncset.done $0x0  }
0x47: {  	[sflag:s10] =	ssyncadd.s32 $0xFFFFCE00  }
0x48: {  	_ =	swait.ge [sflag:s19], $0x3200  }
0x49: {  	[sflag:s19] =	ssyncset.done $0x0  }
0x4a: {  	[sflag:s19] =	ssyncadd.s32 $0xFFFFCE00  }
0x4b: {  	[spmem:s3] =	stream.indirect.scatter.add.f32 [tilespmem:s15], [sflag:$0x3], $0x80, s21, s12, $0xb8;
	[tilespmem:$0x1F540] =	vst v63  }
0x4c: {  	_ =	swait.ge [sflag:s10], $0x3200  }
0x4d: {  	s22 =	sadd.s32 $0x1, s22;
	[sflag:s10] =	ssyncset.done $0x0  }
0x4e: {  	p0 =	sne.s32 s22, s9;
	[sflag:s10] =	ssyncadd.s32 $0xFFFFCE00  }
.Ltmp1:
0x4f: {  	[bflag:$0x0] =	sbarrier.arrive $0xFFFF;
	(pc) =	sbr.rel @p0 .LBB2_1-.Ltmp1, $4  }
0x50: {  	[hbm:s8], [sflag:s16] =	dma.local [spmem:s17], $0x2800  }
0x51: {  	_ =	swait.ge [sflag:s10], $0x2800  }
0x52: {  	[sflag:s10] =	ssyncset.done $0x0  }
0x53: {  	[sflag:s10] =	ssyncadd.s32 $0xFFFFD800  }
0x54: {  	_ =	sfence.sel $0x180000  }
0x55: {  	[bflag:$0x0] =	sbarrier.arrive $0xFFFF  }
0x56: {  	p0 =	sne.s32 s0, $0x0;
	_ =	strace $0x9000004D  }
0x57: {  	s0 =	sadd.s32 @!p0 $0x100000, s2;
	[bflag:$0x2] =	sbarrier.arrive $0xFFFF  }
0x58: {  	[sflag:s0] =	ssyncadd.tile.s32 @!p0 $0x1;
	_ =	shalt  }
.Lfunc_end2:
_tile_overlayer_lowered:
.L_overlay_start_2:
0x59: {  	(tag) =	ssettag $0x2  }
0x5a: {  	s0 =	rddreg [dreg:$0x0];
	s2 =	stileid.u32  }
0x5b: {  	s1 =	rddreg [dreg:$0x1];
	p0 =	sne.s32 s2, $0x0  }
0x5c: {  	s3 =	rddreg [dreg:$0x2];
	[bflag:$0x3] =	sbarrier.arrive $0xFFFF;
	s2 =	simm.s32 @!p0 $0x1C03  }
0x5d: {  	[timem:s3], [sflag:s2] =	dma.local @!p0 [hbm:s0], s1  }
0x5e: {  	s0 =	simm.s32 @!p0 $0x3  }
0x5f: {  	_ =	swait.ge @!p0 [sflag:s0], s1  }
0x60: {  	s1 =	ssub.s32 @!p0 $0x0, s1;
	[sflag:s0] =	ssyncset.done @!p0 $0x0  }
0x61: {  	[sflag:s0] =	ssyncadd.s32 @!p0 s1  }
0x62: {  	[bflag:$0x3] =	sbarrier.arrive $0xFFFF  }
0x63: {  	_ =	shalt  }

// kernel: kernel.22.cloned.1.call-start
scs
__scs_entry_jumppad:
0x0: {  	(pc) =	sbr.rel $0x88, $3  }
0x1: {  	(tag) =	ssettag $0x0;
	lr =	simm.s32 $0x1  }
0x2: {  	[smem:$0x3F95] =	sst lr;
	_ =	strace $0xD0000000  }
0x3: {  	_ = 	snop  }
0x4: {  	_ = 	snop  }
0x5: {  	_ = 	snop  }
0x6: {  	_ = 	snop  }
0x7: {  	_ = 	snop  }
__scs_overlays_trampoline_lowered:
0x8: {  	[smem:$0x3FA4] =	sst s0  }
0x9: {  	[smem:$0x3FA5] =	sst s1  }
0xa: {  	[smem:$0x3FA6] =	sst s2  }
0xb: {  	[smem:$0x3FA7] =	sst s3  }
0xc: {  	[smem:$0x3FA8] =	sst s4  }
0xd: {  	[smem:$0x3FA9] =	sst s5  }
0xe: {  	[smem:$0x3FAA] =	sst s6  }
0xf: {  	[smem:$0x3FAB] =	sst s7  }
0x10: {  	[smem:$0x3FAC] =	sst s8  }
0x11: {  	[smem:$0x3FAD] =	sst s9;
	s0 =	simm.s32 @!p0 $0x0  }
0x12: {  	s1 =	sld [smem:$0x3F93];
	s0 =	simm.s32 @p0 $0x1  }
0x13: {  	[smem:$0x3FAE] =	sst s0;
	s0 =	simm.s32 @!p1 $0x0  }
0x14: {  	s2 =	sld [smem:$0x3F92];
	s0 =	simm.s32 @p1 $0x1  }
0x15: {  	[smem:$0x3FAF] =	sst s0;
	s0 =	simm.s32 @!p2 $0x0  }
0x16: {  	s3 =	sld [smem:$0x3FDB];
	s0 =	simm.s32 @p2 $0x1  }
0x17: {  	s4 =	simm.s32 $0x1BF5;
	[smem:$0x3FB1] =	sst s0  }
0x18: {  	s0 =	sld [smem:$0x3F94];
	_ =	swait.ge [sflag:s4], $0x0  }
0x19: {  	s7 =	sld [smem:$0x3F95]  }
0x1a: {  	s8 =	sadd.s32 $0xFFFFE003, lr  }
0x1b: {  	s9 =	sadd.s32 $0xFFFFFEF7, lr;
	s5 =	simm.s32 $0xFFFFFFFF;
	p2 =	slt.u32 s8, $0xFFFFF086  }
0x1c: {  	p1 =	slt.u32 s9, $0xF7A;
	s5 =	simm.s32 @!p2 $0x0  }
0x1d: {  	s5 =	simm.s32 @p1 $0x1;
	p0 =	seq.s32 s7, s2  }
0x1e: {  	s7 =	smul.u32 @!p0 $0xF7A, s2;
	p2 =	seq.s32 @!p0 s5, $0x0  }
0x1f: {  	s9 =	smul.u32 $0xF7A, s1;
	s8 =	simm.s32 @!p0 $0x1BF5;
	p2 =	por !p2, p0  }
0x20: {  	[sflag:s8] =	ssyncset.s32 @!p0 $0xFFFFF086;
	s6 =	sadd.s32 @!p0 s3, s7;
	s7 =	simm.s32 @!p0 $0x108  }
0x21: {  	s3 =	sadd.s32 s3, s9;
	s6 =	sadd.s32 @!p0 $0x88, s6;
	s7 =	simm.s32 @p2 $0x1082  }
0x22: {  	[simem:s7], [sflag:s8] =	dma.local @!p0 [hbm:s6], $0xF7A  }
0x23: {  	s9 =	sor.u32 $0xD0000000, s2;
	s6 =	simm.s32 $0x108;
	_ =	swait.ge @!p0 [sflag:s8], $0x0  }
0x24: {  	s3 =	sadd.s32 $0x88, s3;
	s6 =	simm.s32 @!p1 $0x1082;
	[sflag:s4] =	ssyncset.s32 $0xFFFFF086  }
0x25: {  	[simem:s6], [sflag:s4] =	dma.local [hbm:s3], $0xF7A  }
0x26: {  	[smem:$0x3F95] =	sst s1;
	(tag) =	ssettag s2;
	_ =	strace s9  }
0x27: {  	s1 =	sld [smem:$0x3FA5]  }
0x28: {  	s2 =	sld [smem:$0x3FA6]  }
0x29: {  	s4 =	sld [smem:$0x3FA8]  }
0x2a: {  	p0 =	seq.s32 s5, $0x0;
	s5 =	sld [smem:$0x3FA9]  }
0x2b: {  	s6 =	sld [smem:$0x3FAA]  }
0x2c: {  	s7 =	sld [smem:$0x3FAB]  }
0x2d: {  	s3 =	simm.s32 $0x108;
	s8 =	sld [smem:$0x3FAC]  }
0x2e: {  	s3 =	simm.s32 @!p0 $0x1082;
	s9 =	sld [smem:$0x3FAD]  }
0x2f: {  	lr =	sadd.s32 s0, s3;
	s0 =	sld [smem:$0x3FA4]  }
0x30: {  	s3 =	sld [smem:$0x3FA7]  }
0x31: {  	[smem:$0x3FB0] =	sst s10  }
0x32: {  	s10 =	sld [smem:$0x3FAE];
	_ =	sdelay $0x3  }
0x33: {  	p0 =	seq.s32 s10, $0x1;
	s10 =	sld [smem:$0x3FB0];
	_ =	sdelay $0x3  }
0x34: {  	[smem:$0x3FB0] =	sst s10  }
0x35: {  	s10 =	sld [smem:$0x3FAF];
	_ =	sdelay $0x3  }
0x36: {  	p1 =	seq.s32 s10, $0x1;
	s10 =	sld [smem:$0x3FB0];
	_ =	sdelay $0x3  }
0x37: {  	[smem:$0x3FB0] =	sst s10  }
0x38: {  	s10 =	sld [smem:$0x3FB1]  }
0x39: {  	_ = 	snop;
	(pc) =	sbr.ind lr, $3  }
0x3a: {  	_ = 	snop  }
0x3b: {  	_ = 	snop  }
0x3c: {  	p2 =	seq.s32 s10, $0x1;
	s10 =	sld [smem:$0x3FB0]  }
0x3d: {  	_ =	shalt  }
0x3e: {  	_ =	shalt  }
0x3f: {  	_ =	shalt  }
0x40: {  	_ =	shalt  }
0x41: {  	_ =	shalt  }
0x42: {  	_ =	shalt  }
0x43: {  	_ =	shalt  }
0x44: {  	_ =	shalt  }
0x45: {  	_ =	shalt  }
0x46: {  	_ =	shalt  }
0x47: {  	_ =	shalt  }
0x48: {  	_ =	shalt  }
0x49: {  	_ =	shalt  }
0x4a: {  	_ =	shalt  }
0x4b: {  	_ =	shalt  }
0x4c: {  	_ =	shalt  }
0x4d: {  	_ =	shalt  }
0x4e: {  	_ =	shalt  }
0x4f: {  	_ =	shalt  }
0x50: {  	_ =	shalt  }
0x51: {  	_ =	shalt  }
0x52: {  	_ =	shalt  }
0x53: {  	_ =	shalt  }
0x54: {  	_ =	shalt  }
0x55: {  	_ =	shalt  }
0x56: {  	_ =	shalt  }
0x57: {  	_ =	shalt  }
0x58: {  	_ =	shalt  }
0x59: {  	_ =	shalt  }
0x5a: {  	_ =	shalt  }
0x5b: {  	_ =	shalt  }
0x5c: {  	_ =	shalt  }
0x5d: {  	_ =	shalt  }
0x5e: {  	_ =	shalt  }
0x5f: {  	_ =	shalt  }
0x60: {  	_ =	shalt  }
0x61: {  	_ =	shalt  }
0x62: {  	_ =	shalt  }
0x63: {  	_ =	shalt  }
0x64: {  	_ =	shalt  }
0x65: {  	_ =	shalt  }
0x66: {  	_ =	shalt  }
0x67: {  	_ =	shalt  }
0x68: {  	_ =	shalt  }
0x69: {  	_ =	shalt  }
0x6a: {  	_ =	shalt  }
0x6b: {  	_ =	shalt  }
0x6c: {  	_ =	shalt  }
0x6d: {  	_ =	shalt  }
0x6e: {  	_ =	shalt  }
0x6f: {  	_ =	shalt  }
0x70: {  	_ =	shalt  }
0x71: {  	_ =	shalt  }
0x72: {  	_ =	shalt  }
0x73: {  	_ =	shalt  }
0x74: {  	_ =	shalt  }
0x75: {  	_ =	shalt  }
0x76: {  	_ =	shalt  }
0x77: {  	_ =	shalt  }
0x78: {  	_ =	shalt  }
0x79: {  	_ =	shalt  }
0x7a: {  	_ =	shalt  }
0x7b: {  	_ =	shalt  }
0x7c: {  	_ =	shalt  }
0x7d: {  	_ =	shalt  }
0x7e: {  	_ =	shalt  }
0x7f: {  	_ =	shalt  }
0x80: {  	_ =	shalt  }
0x81: {  	_ =	shalt  }
0x82: {  	_ =	shalt  }
0x83: {  	_ =	shalt  }
0x84: {  	_ =	shalt  }
0x85: {  	_ =	shalt  }
0x86: {  	_ =	shalt  }
0x87: {  	_ =	shalt  }
.Lfunc_end0:
.L_simem_size_0:
called_computation.3_lowered:
.L_overlay_start_0:
0x88: {  	s2 =	sld [smem:$0x3FD9]  }
0x89: {  	s3 =	sld [smem:$0x3FFE];
	_ =	sdelay $0x1  }
0x8a: {  	s1 =	srdreg.scid  }
0x8b: {  	s0 =	sand.u32 $0x1, s1  }
0x8c: {  	s17 =	sshll.u32 s0, $0xA;
	s2 =	sadd.s32 s3, s2  }
0x8d: {  	s2 =	sadd.s32 s2, s17  }
0x8e: {  	[smem:$0x3FBC] =	sst s2  }
0x8f: {  	_ = 	snop  }
0x90: {  	s2 =	sld [smem:$0x3FD0];
	(tm) =	ssettm $0x1  }
0x91: {  	s18 =	sld [smem:$0x3FFB];
	_ =	sdelay $0x3  }
0x92: {  	_ =	strace s18  }
0x93: {  	s3 =	sld [smem:$0x3FFC];
	_ =	sdelay $0x3  }
0x94: {  	_ =	strace s3  }
0x95: {  	s3 =	sld [smem:$0x3FFD];
	_ =	sdelay $0x3  }
0x96: {  	_ =	strace s3  }
0x97: {  	_ =	strace $0x8FFFFFFF  }
0x98: {  	s19 =	sld [smem:$0x3FDB];
	_ =	sdelay $0x1  }
0x99: {  	s4 =	simm.s32 $_scs_section_size  }
0x9a: {  	s5 =	simm.s32 $_size__tile_overlayer_lowered;
	s6 =	simm.s32 $_tile_overlayer_lowered  }
0x9b: {  	s22 =	simm.s32 $0x1BFF;
	s21 =	sshll.u32 s6, $0x1;
	s3 =	sadd.s32 s4, s19  }
0x9c: {  	s7 =	simm.s32 $0x0;
	s20 =	sshll.u32 s5, $0x1;
	s5 =	sadd.s32 s21, s3  }
0x9d: {  	[timem:s7], [sflag:s22] =	dma.local [hbm:s5], s20  }
0x9e: {  	_ =	swait.ge [sflag:s22], s20  }
0x9f: {  	s4 =	ssub.s32 $0x0, s20;
	[sflag:s22] =	ssyncset.done $0x0  }
0xa0: {  	[sflag:s22] =	ssyncadd.s32 s4;
	_ =	sdelay $0x1  }
0xa1: {  	s23 =	simm.s32 $0x1B8B  }
0xa2: {  	_ =	swait.ge [sflag:s23], $0x1  }
0xa3: {  	[sflag:s23] =	ssyncset.done $0x0  }
0xa4: {  	s25 =	simm.s32 $0x1B8E;
	s24 =	sld [smem:$0x3FFE];
	[sflag:s23] =	ssyncadd.s32 $0xFFFFFFFF  }
0xa5: {  	s26 =	simm.s32 $execute0_lowered;
	[smem:$0x3FD2] =	sst s25  }
0xa6: {  	s5 =	sshll.u32 s26, $0x1;
	_ =	strace $0x8000004F;
	[dreg:$0x1] =	wrdreg $0xFFFFFFFF  }
0xa7: {  	s28 =	simm.s32 $_size_execute0_lowered;
	s3 =	sadd.s32 s3, s5;
	[dreg:$0x0] =	wrdreg $0x0  }
0xa8: {  	s5 =	sshll.u32 s28, $0x1;
	[dreg:$0x2] =	wrdreg s3  }
0xa9: {  	[dreg:$0x3] =	wrdreg s5  }
0xaa: {  	[dreg:$0x4] =	wrdreg $0xC0  }
0xab: {  	_ =	task [dreg:s7], $0x5FFFF  }
0xac: {  	[dreg:$0x1] =	wrdreg $0xFFFFFFFF  }
0xad: {  	[dreg:$0x0] =	wrdreg $0x60  }
0xae: {  	[dreg:$0x2] =	wrdreg s2  }
0xaf: {  	[dreg:$0x3] =	wrdreg s24  }
0xb0: {  	[dreg:$0x4] =	wrdreg $0xB5400  }
0xb1: {  	[dreg:$0x5] =	wrdreg $0x9  }
0xb2: {  	_ =	task.clear_ibuf [dreg:s7], $0x6FFFF;
	_ =	strace $0x9000004F  }
0xb3: {  	s29 =	simm.s32 $0x9;
	_ =	strace $0x80000051  }
0xb4: {  	_ =	swait.ge [sflag:s29], $0x1  }
0xb5: {  	[sflag:s29] =	ssyncadd.s32 $0xFFFFFFFF  }
0xb6: {  	_ =	strace $0x90000051  }
0xb7: {  	_ =	sfence  }
0xb8: {  	s30 =	sld [smem:$0x0];
	_ =	sdelay $0x2  }
0xb9: {  	s31 =	sshll.u32 s1, $0xD;
	s1 =	sshrl.u32 s1, $0x2  }
0xba: {  	s3 =	sand.u32 $0x4000, s31;
	s1 =	sadd.s32 s1, s30  }
0xbb: {  	s0 =	sor.u32 s3, s0;
	s1 =	sshll.u32 s1, $0x11  }
0xbc: {  	s0 =	sor.u32 s1, s0  }
0xbd: {  	s0 =	sadd.s32 $0x8F2B, s0  }
0xbe: {  	[sflag:s0] =	ssyncadd.remote.s32 $0x1  }
0xbf: {  	_ =	sfence.sel $0xFFFF  }
0xc0: {  	[dreg:$0x0] =	wrdreg $0xFFFFFFFF;
	(pc) =	sbr.abs _section_cstart, $3  }
0xc1: {  	[dreg:$0x1] =	wrdreg $0xFFFFFFFF  }
0xc2: {  	_ =	task.clear_ibuf [dreg:s7], $0x2FFFF;
	_ =	strace $0x9FFFFFFF  }
0xc3: {  	(tm) =	ssettm $0x7FFFFFFF  }
tec
execute0_lowered:
.L_overlay_start_1:
0x0: {  	(tag) =	ssettag $0x1  }
0x1: {  	s1 =	rddreg [dreg:$0x0]  }
0x2: {  	s2 =	srdreg.scid;
	s6 =	rddreg [dreg:$0x1]  }
0x3: {  	s0 =	stileid.u32;
	s3 =	rddreg [dreg:$0x2];
	s4 =	simm.s32 $0x0  }
0x4: {  	s12 =	simm.s32 $0x64;
	s13 =	simm.s32 $0x5140;
	s14 =	simm.s32 $0x68  }
0x5: {  	s15 =	simm.s32 $0x8340;
	s18 =	simm.s32 $0x1;
	s19 =	simm.s32 $0x2  }
0x6: {  	s20 =	simm.s32 $0x5070;
	s21 =	simm.s32 $0x50D8;
	s22 =	simm.s32 $0x0  }
0x7: {  	s5 =	sand.u32 $0x1, s2;
	s31 =	sshll.u32 s0, $0x1;
	s8 =	smul.u32 $0x14000, s0  }
0x8: {  	[smem:$0x7FF] =	sst s4;
	s16 =	sshll.u32 s0, $0x6;
	s2 =	sor.u32 s5, s31  }
0x9: {  	s9 =	smul.u32 $0x140000, s5;
	s10 =	ssub.s32 $0x2, s5;
	s5 =	sadd.s32 $0x36800, s6  }
0xa: {  	s16 =	sor.u32 $0x1C03, s16;
	s7 =	smul.u32 $0x514, s2;
	s2 =	rddreg [dreg:$0x3]  }
0xb: {  	_ =	strace $0x80000050;
	s11 =	sshrl.u32 s10, $0x1;
	s17 =	sadd.s32 s8, s3  }
0xc: {  	s9 =	sadd.s32 s8, s9;
	s10 =	ssub.s32 s10, s11;
	s11 =	simm.s32 $0x28A0  }
0xd: {  	s17 =	sshrl.u32 s17, $0x3;
	s7 =	sadd.s32 s7, s6;
	s9 =	sshrl.u32 s9, $0x3  }
0xe: {  	s9 =	sadd.s32 s9, s6;
	s6 =	sadd.s32 $0x2C400, s7;
	s7 =	sadd.s32 $0x3400, s7  }
0xf: {  	s8 =	sadd.s32 $0x39000, s9;
	s9 =	smax.u32 s10, $0x1;
	s10 =	simm.s32 $0x3  }
.LBB2_1:
0x10: {  	[tilespmem:s4], [sflag:$0x3] =	stream.linear.gather [hbm4b:s6+s4], $0x28A0, $0x38;
	[tilespmem:$0x1F540] =	vst v63  }
0x11: {  	_ =	swait.ge [sflag:s10], $0x28A0  }
0x12: {  	[sflag:s10] =	ssyncset.done $0x0  }
0x13: {  	[sflag:s10] =	ssyncadd.s32 $0xFFFFD760  }
0x14: {  	[tilespmem:s11], [sflag:$0x3] =	stream.linear.gather [hbm4b:s7+s4], $0x28A0, $0x38;
	[tilespmem:$0x1F540] =	vst v63  }
0x15: {  	_ =	swait.ge [sflag:s10], $0x28A0  }
0x16: {  	[sflag:s10] =	ssyncset.done $0x0  }
0x17: {  	[sflag:s10] =	ssyncadd.s32 $0xFFFFD760  }
0x18: {  	[tilespmem:s13], [sflag:$0x1] =	stream.indirect.gather [hbm4b:s1+s12], $0x80, s4, s12, $0xb8;
	[tilespmem:$0x1F540] =	vst v63  }
0x19: {  	_ = 	snop  }
0x1a: {  	[tilespmem:s15], [sflag:$0x2] =	stream.indirect.gather [hbm4b:s1+s12], $0x80, s14, s12, $0xb8;
	[tilespmem:$0x1F540] =	vst v63  }
0x1b: {  	[spmem:s17], [sflag:s16] =	dma.local [hbm:s5], $0x2800  }
0x1c: {  	_ =	swait.ge [sflag:s10], $0x2800  }
0x1d: {  	[sflag:s10] =	ssyncset.done $0x0  }
0x1e: {  	[sflag:s10] =	ssyncadd.s32 $0xFFFFD800  }
0x1f: {  	[bflag:$0x0] =	sbarrier.arrive $0xFFFF  }
0x20: {  	_ =	swait.ge [sflag:s18], $0x3200  }
0x21: {  	[sflag:s18] =	ssyncset.done $0x0  }
0x22: {  	s23 =	simm.s32 $0x28A0;
	[sflag:s18] =	ssyncadd.s32 $0xFFFFCE00  }
0x23: {  	[spmem:s3] =	stream.indirect.scatter.add.f32 [tilespmem:s13], [sflag:$0x3], $0x80, s23, s12, $0xb8;
	[tilespmem:$0x1F540] =	vst v63  }
0x24: {  	_ =	swait.ge [sflag:s10], $0x3200  }
0x25: {  	[sflag:s10] =	ssyncset.done $0x0  }
0x26: {  	s30 =	simm.s32 $0xD0;
	[sflag:s10] =	ssyncadd.s32 $0xFFFFCE00  }
0x27: {  	[tilespmem:s13], [sflag:$0x1] =	stream.indirect.gather [hbm4b:s1+s12], $0x80, s30, s12, $0xb8;
	[tilespmem:$0x1F540] =	vst v63  }
0x28: {  	_ =	swait.ge [sflag:s19], $0x3200  }
0x29: {  	[sflag:s19] =	ssyncset.done $0x0  }
0x2a: {  	s31 =	simm.s32 $0x2908;
	[sflag:s19] =	ssyncadd.s32 $0xFFFFCE00  }
0x2b: {  	[spmem:s3] =	stream.indirect.scatter.add.f32 [tilespmem:s15], [sflag:$0x3], $0x80, s31, s12, $0xb8;
	[tilespmem:$0x1F540] =	vst v63  }
0x2c: {  	_ =	swait.ge [sflag:s10], $0x3200  }
0x2d: {  	[sflag:s10] =	ssyncset.done $0x0  }
0x2e: {  	s24 =	simm.s32 $0x138;
	s23 =	simm.s32 $0x340;
	[sflag:s10] =	ssyncadd.s32 $0xFFFFCE00  }
.LBB2_2:
0x2f: {  	[tilespmem:s15], [sflag:$0x2] =	stream.indirect.gather [hbm4b:s1+s12], $0x80, s24, s12, $0xb8;
	[tilespmem:$0x1F540] =	vst v63  }
0x30: {  	s24 =	smov.u32 s23  }
0x31: {  	p0 =	sne.s32 s23, $0x9C00;
	s23 =	sadd.s32 $0x340, s23;
	_ =	swait.ge [sflag:s18], $0x3200  }
0x32: {  	s24 =	sshra.s32 s24, $0x2;
	[sflag:s18] =	ssyncset.done $0x0  }
0x33: {  	s25 =	sadd.s32 $0x28A0, s24;
	[sflag:s18] =	ssyncadd.s32 $0xFFFFCE00  }
0x34: {  	[spmem:s3] =	stream.indirect.scatter.add.f32 [tilespmem:s13], [sflag:$0x3], $0x80, s25, s12, $0xb8;
	[tilespmem:$0x1F540] =	vst v63  }
0x35: {  	_ =	swait.ge [sflag:s10], $0x3200  }
0x36: {  	[sflag:s10] =	ssyncset.done $0x0  }
0x37: {  	s25 =	sadd.s32 $0xD0, s24;
	[sflag:s10] =	ssyncadd.s32 $0xFFFFCE00  }
0x38: {  	[tilespmem:s13], [sflag:$0x1] =	stream.indirect.gather [hbm4b:s1+s12], $0x80, s25, s12, $0xb8;
	[tilespmem:$0x1F540] =	vst v63  }
0x39: {  	_ =	swait.ge [sflag:s19], $0x3200  }
0x3a: {  	[sflag:s19] =	ssyncset.done $0x0  }
.Ltmp0:
0x3b: {  	s25 =	sadd.s32 $0x2908, s24;
	[sflag:s19] =	ssyncadd.s32 $0xFFFFCE00;
	(pc) =	sbr.rel @p0 .LBB2_2-.Ltmp0, $4  }
0x3c: {  	[spmem:s3] =	stream.indirect.scatter.add.f32 [tilespmem:s15], [sflag:$0x3], $0x80, s25, s12, $0xb8;
	[tilespmem:$0x1F540] =	vst v63  }
0x3d: {  	_ =	swait.ge [sflag:s10], $0x3200  }
0x3e: {  	[sflag:s10] =	ssyncset.done $0x0  }
0x3f: {  	s24 =	sadd.s32 $0x138, s24;
	[sflag:s10] =	ssyncadd.s32 $0xFFFFCE00  }
0x40: {  	[tilespmem:s15], [sflag:$0x2] =	stream.indirect.gather [hbm4b:s1+s12], $0x80, s24, s12, $0xb8;
	[tilespmem:$0x1F540] =	vst v63  }
0x41: {  	_ =	swait.ge [sflag:s18], $0x3200  }
0x42: {  	[sflag:s18] =	ssyncset.done $0x0  }
0x43: {  	[sflag:s18] =	ssyncadd.s32 $0xFFFFCE00  }
0x44: {  	[spmem:s3] =	stream.indirect.scatter.add.f32 [tilespmem:s13], [sflag:$0x3], $0x80, s20, s12, $0xb8;
	[tilespmem:$0x1F540] =	vst v63  }
0x45: {  	_ =	swait.ge [sflag:s10], $0x3200  }
0x46: {  	[sflag:s10] =	ssyncset.done $0x0  }
0x47: {  	[sflag:s10] =	ssyncadd.s32 $0xFFFFCE00  }
0x48: {  	_ =	swait.ge [sflag:s19], $0x3200  }
0x49: {  	[sflag:s19] =	ssyncset.done $0x0  }
0x4a: {  	[sflag:s19] =	ssyncadd.s32 $0xFFFFCE00  }
0x4b: {  	[spmem:s3] =	stream.indirect.scatter.add.f32 [tilespmem:s15], [sflag:$0x3], $0x80, s21, s12, $0xb8;
	[tilespmem:$0x1F540] =	vst v63  }
0x4c: {  	_ =	swait.ge [sflag:s10], $0x3200  }
0x4d: {  	s22 =	sadd.s32 $0x1, s22;
	[sflag:s10] =	ssyncset.done $0x0  }
0x4e: {  	p0 =	sne.s32 s22, s9;
	[sflag:s10] =	ssyncadd.s32 $0xFFFFCE00  }
.Ltmp1:
0x4f: {  	[bflag:$0x0] =	sbarrier.arrive $0xFFFF;
	(pc) =	sbr.rel @p0 .LBB2_1-.Ltmp1, $4  }
0x50: {  	[hbm:s8], [sflag:s16] =	dma.local [spmem:s17], $0x2800  }
0x51: {  	_ =	swait.ge [sflag:s10], $0x2800  }
0x52: {  	[sflag:s10] =	ssyncset.done $0x0  }
0x53: {  	[sflag:s10] =	ssyncadd.s32 $0xFFFFD800  }
0x54: {  	_ =	sfence.sel $0x180000  }
0x55: {  	[bflag:$0x0] =	sbarrier.arrive $0xFFFF  }
0x56: {  	p0 =	sne.s32 s0, $0x0;
	_ =	strace $0x90000050  }
0x57: {  	s0 =	sadd.s32 @!p0 $0x100000, s2;
	[bflag:$0x2] =	sbarrier.arrive $0xFFFF  }
0x58: {  	[sflag:s0] =	ssyncadd.tile.s32 @!p0 $0x1;
	_ =	shalt  }
.Lfunc_end2:
_tile_overlayer_lowered:
.L_overlay_start_2:
0x59: {  	(tag) =	ssettag $0x2  }
0x5a: {  	s0 =	rddreg [dreg:$0x0];
	s2 =	stileid.u32  }
0x5b: {  	s1 =	rddreg [dreg:$0x1];
	p0 =	sne.s32 s2, $0x0  }
0x5c: {  	s3 =	rddreg [dreg:$0x2];
	[bflag:$0x3] =	sbarrier.arrive $0xFFFF;
	s2 =	simm.s32 @!p0 $0x1C03  }
0x5d: {  	[timem:s3], [sflag:s2] =	dma.local @!p0 [hbm:s0], s1  }
0x5e: {  	s0 =	simm.s32 @!p0 $0x3  }
0x5f: {  	_ =	swait.ge @!p0 [sflag:s0], s1  }
0x60: {  	s1 =	ssub.s32 @!p0 $0x0, s1;
	[sflag:s0] =	ssyncset.done @!p0 $0x0  }
0x61: {  	[sflag:s0] =	ssyncadd.s32 @!p0 s1  }
0x62: {  	[bflag:$0x3] =	sbarrier.arrive $0xFFFF  }
0x63: {  	_ =	shalt  }

</sc_bundles>
